<compile_context>
chip_gen: v7x
topology: tpu7x:2x2x1
jax: 0.10.2.dev20260603
libtpu: 0.0.44.dev20260713+nightly
codegen_flags: <defaults>
</compile_context>

<pallas_src>
import functools

import jax
import jax.numpy as jnp
from jax import lax
from jax.experimental import pallas as pl
from jax.experimental.pallas import tpu as pltpu
from jax.experimental.pallas import tpu_sc as plsc

B, N, M = 4, 4096, 4096
TM = 1024
MT = M // TM
C = 64

NC, NS = 2, 16
NW = NC * NS
PTS = (B * M) // NW
GCH = 128
NCHUNK = PTS // GCH

POS_W, ROT_W, SCALE_W, OPA_W, SH_W = 1.0, 0.5, 0.5, 0.3, 0.2

IDXMASK = 0xFFF


def _dist_kernel(out_xyz_ref, in_xyzt_ref, match_ref, possum_ref,
                 colmin_ref, baug_ref, aaug_ref):
    b = pl.program_id(0)
    mt = pl.program_id(1)

    @pl.when(mt == 0)
    def _():
        a = out_xyz_ref[0]
        a2 = jnp.sum(a * a, axis=1, keepdims=True)
        aaug = jnp.concatenate(
            [-2.0 * a, jnp.ones((M, 1), jnp.float32), a2,
             jnp.zeros((M, 3), jnp.float32)], axis=1)
        bt = in_xyzt_ref[0]
        b2 = jnp.sum(bt * bt, axis=0, keepdims=True)
        baug = jnp.concatenate(
            [bt, b2, jnp.ones((1, N), jnp.float32),
             jnp.zeros((3, N), jnp.float32)], axis=0)
        ah = aaug.astype(jnp.bfloat16)
        al = (aaug - ah.astype(jnp.float32)).astype(jnp.bfloat16)
        aaug_ref[...] = jnp.concatenate([ah, ah, al], axis=1)
        bh = baug.astype(jnp.bfloat16)
        bl = (baug - bh.astype(jnp.float32)).astype(jnp.bfloat16)
        baug_ref[...] = jnp.concatenate([bh, bl, bh], axis=0)

    NH = N // 2
    aslice = aaug_ref[pl.ds(mt * TM, TM), :]
    rowpf_h = []
    colp_h = []
    for h in range(2):
        d2 = jnp.dot(aslice, baug_ref[:, pl.ds(h * NH, NH)],
                     preferred_element_type=jnp.float32)
        bits = lax.bitcast_convert_type(d2, jnp.int32)
        iota = lax.broadcasted_iota(jnp.int32, (TM, NH), 1) + (h * NH)
        packed = lax.bitcast_convert_type(
            (bits & jnp.int32(~IDXMASK)) | iota, jnp.float32)
        rowpf_h.append(jnp.min(packed, axis=1, keepdims=True))
        colp_h.append(jnp.min(packed, axis=0, keepdims=True))

    rowpf = jnp.minimum(rowpf_h[0], rowpf_h[1])
    rowp = lax.bitcast_convert_type(rowpf, jnp.int32)
    match_ref[0, 0, :] = (rowp[:, 0] & IDXMASK) + b * N
    rowd2 = lax.bitcast_convert_type(rowp & jnp.int32(~IDXMASK), jnp.float32)

    colp = lax.bitcast_convert_type(
        jnp.concatenate(colp_h, axis=1), jnp.int32)

    @pl.when(mt == 0)
    def _():
        colmin_ref[...] = colp

    @pl.when(mt > 0)
    def _():
        colmin_ref[...] = jnp.minimum(colmin_ref[...], colp)

    @pl.when(jnp.logical_and(b == 0, mt == 0))
    def _():
        possum_ref[0, 0] = 0.0
        possum_ref[0, 1] = 0.0

    possum_ref[0, 0] += jnp.sum(jnp.sqrt(jnp.maximum(rowd2, 1e-12)))

    @pl.when(mt == MT - 1)
    def _():
        cold2 = lax.bitcast_convert_type(
            colmin_ref[...] & jnp.int32(~IDXMASK), jnp.float32)
        possum_ref[0, 1] += jnp.sum(jnp.sqrt(jnp.maximum(cold2, 1e-12)))


def _run_dist(out_xyz, in_xyzt, interpret=False):
    return pl.pallas_call(
        _dist_kernel,
        grid=(B, MT),
        in_specs=[
            pl.BlockSpec((1, M, 3), lambda b, mt: (b, 0, 0)),
            pl.BlockSpec((1, 3, N), lambda b, mt: (b, 0, 0)),
        ],
        out_specs=[
            pl.BlockSpec((1, 1, TM), lambda b, mt: (b * MT + mt, 0, 0)),
            pl.BlockSpec(memory_space=pltpu.SMEM, block_shape=(1, 2),
                         index_map=lambda b, mt: (0, 0)),
        ],
        out_shape=[
            jax.ShapeDtypeStruct((B * MT, 1, TM), jnp.int32),
            jax.ShapeDtypeStruct((1, 2), jnp.float32),
        ],
        scratch_shapes=[pltpu.VMEM((1, N), jnp.int32),
                        pltpu.VMEM((24, N), jnp.bfloat16),
                        pltpu.VMEM((M, 24), jnp.bfloat16)],
        compiler_params=pltpu.CompilerParams(
            dimension_semantics=("arbitrary", "arbitrary")),
        interpret=interpret,
    )(out_xyz, in_xyzt)


def _sc_body(in_cat_hbm, out_cat_hbm, match_hbm, out_hbm,
             idx_v, inrows_v, outrows_v, res_v, sem, isem):
    c = lax.axis_index("c")
    s = lax.axis_index("s")
    wid = s * NC + c
    base = wid * PTS

    idx_cp = pltpu.async_copy(match_hbm.at[pl.ds(base, PTS)], idx_v, isem)
    out_cp = pltpu.async_copy(out_cat_hbm.at[pl.ds(base, PTS)],
                              outrows_v, sem)
    idx_cp.wait()
    gathers = [
        pltpu.async_copy(in_cat_hbm.at[idx_v.at[pl.ds(k * GCH, GCH)]],
                         inrows_v.at[pl.ds(k * GCH, GCH)], sem)
        for k in range(NCHUNK)
    ]
    out_cp.wait()
    for cp in gathers:
        cp.wait()

    iota16 = lax.iota(jnp.int32, 16)
    zeros = jnp.zeros((16,), jnp.float32)
    bm = float(B * M)
    rot_scale = ROT_W / bm
    s_w = SCALE_W / (3.0 * bm)
    o_w = OPA_W / bm
    d_w = SH_W / (3.0 * bm)
    r_w = SH_W / (45.0 * bm)
    wv = [
        jnp.where(iota16 < 4, 0.0,
                  jnp.where(iota16 < 7, s_w,
                            jnp.where(iota16 < 8, o_w,
                                      jnp.where(iota16 < 11, d_w, r_w)))),
        jnp.full((16,), r_w, jnp.float32),
        jnp.full((16,), r_w, jnp.float32),
        jnp.where(iota16 < 8, r_w, 0.0),
    ]

    @plsc.parallel_loop(0, PTS // 16, carry=(zeros, zeros, zeros, zeros,
                                             zeros), unroll=2)
    def acc(g, carry):
        a0, a1, a2, a3, arot = carry
        rows = g * 16 + iota16
        dot = zeros
        for ch in range(4):
            cols = jnp.full((16,), ch, jnp.int32)
            gi = plsc.load_gather(inrows_v, [rows, cols])
            go = plsc.load_gather(outrows_v, [rows, cols])
            dot = dot + gi * go
        arot = arot + (1.0 - jnp.abs(dot))
        for j in range(16):
            p = g * 16 + j
            a0 = a0 + wv[0] * jnp.abs(inrows_v[p, pl.ds(0, 16)]
                                      - outrows_v[p, pl.ds(0, 16)])
            a1 = a1 + wv[1] * jnp.abs(inrows_v[p, pl.ds(16, 16)]
                                      - outrows_v[p, pl.ds(16, 16)])
            a2 = a2 + wv[2] * jnp.abs(inrows_v[p, pl.ds(32, 16)]
                                      - outrows_v[p, pl.ds(32, 16)])
            a3 = a3 + wv[3] * jnp.abs(inrows_v[p, pl.ds(48, 16)]
                                      - outrows_v[p, pl.ds(48, 16)])
        return a0, a1, a2, a3, arot

    a0, a1, a2, a3, arot = acc
    res_v[...] = (a0 + a1) + (a2 + a3) + rot_scale * arot
    pltpu.sync_copy(res_v, out_hbm.at[wid])


@functools.cache
def _sc_gather_loss():
    return pl.kernel(
        _sc_body,
        out_type=jax.ShapeDtypeStruct((NW, 16), jnp.float32),
        mesh=plsc.VectorSubcoreMesh(core_axis_name="c", subcore_axis_name="s",
                                    num_cores=NC, num_subcores=NS),
        scratch_types=[
            pltpu.VMEM((PTS,), jnp.int32),
            pltpu.VMEM((PTS, C), jnp.float32),
            pltpu.VMEM((PTS, C), jnp.float32),
            pltpu.VMEM((16,), jnp.float32),
            pltpu.SemaphoreType.DMA,
            pltpu.SemaphoreType.DMA,
        ],
        compiler_params=pltpu.CompilerParams(needs_layout_passes=False,
                                             use_tc_tiling_on_sc=False),
    )


def kernel(in_xyz, in_rotation, in_scale, in_opacity, in_sh_dc, in_sh_rest,
           out_xyz, out_rotation, out_scale, out_opacity, out_sh_dc,
           out_sh_rest):
    in_xyzt = jnp.transpose(in_xyz, (0, 2, 1))
    match, possum = _run_dist(out_xyz, in_xyzt)

    pad_in = jnp.zeros((B, N, C - 56), jnp.float32)
    pad_out = jnp.zeros((B, M, C - 56), jnp.float32)
    in_cat = jnp.concatenate(
        [in_rotation, in_scale, in_opacity, in_sh_dc, in_sh_rest, pad_in],
        axis=-1).reshape(B * N, C)
    out_cat = jnp.concatenate(
        [out_rotation, out_scale, out_opacity, out_sh_dc, out_sh_rest,
         pad_out], axis=-1).reshape(B * M, C)

    partial = _sc_gather_loss()(in_cat, out_cat, match.reshape(B * M))

    pos_loss = (possum[0, 0] / (B * M) + possum[0, 1] / (B * N)) / 2.0
    return POS_W * pos_loss + jnp.sum(partial)

# --- scband reference (transcript-rebuilt; emitter-appended) ---
"""Pipeline reference for scband-chamfer-loss-61727269978572 (READ-ONLY COPY).

The authoritative reference and input builder live on the scoring server;
editing this copy changes nothing except your own understanding.
"""

import jax, jax.numpy as jnp
import numpy as np

B, N, M = 4, 4096, 4096

def setup_inputs(seed: int = 0) -> dict:
    key = jax.random.key(seed)
    ks = jax.random.split(key, 12)
    return {
        'in_xyz': jax.random.normal(ks[0], (B, N, 3), dtype=jnp.float32),
        'in_rotation': jax.random.normal(ks[1], (B, N, 4), dtype=jnp.float32),
        'in_scale': jax.random.normal(ks[2], (B, N, 3), dtype=jnp.float32),
        'in_opacity': jax.random.uniform(ks[3], (B, N, 1), dtype=jnp.float32),
        'in_sh_dc': jax.random.normal(ks[4], (B, N, 3), dtype=jnp.float32),
        'in_sh_rest': jax.random.normal(ks[5], (B, N, 45), dtype=jnp.float32),
        'out_xyz': jax.random.normal(ks[6], (B, M, 3), dtype=jnp.float32),
        'out_rotation': jax.random.normal(ks[7], (B, M, 4), dtype=jnp.float32),
        'out_scale': jax.random.normal(ks[8], (B, M, 3), dtype=jnp.float32),
        'out_opacity': jax.random.uniform(ks[9], (B, M, 1), dtype=jnp.float32),
        'out_sh_dc': jax.random.normal(ks[10], (B, M, 3), dtype=jnp.float32),
        'out_sh_rest': jax.random.normal(ks[11], (B, M, 45), dtype=jnp.float32),
    }

def _cdist(a, b):
    # a: [B, M, 3], b: [B, N, 3] -> [B, M, N] euclidean distance (torch.cdist p=2)
    a2 = jnp.sum(a * a, axis=-1)[:, :, None]
    b2 = jnp.sum(b * b, axis=-1)[:, None, :]
    ab = jnp.einsum('bmd,bnd->bmn', a, b)
    d2 = jnp.maximum(a2 + b2 - 2.0 * ab, 1e-12)
    return jnp.sqrt(d2)

def reference(in_xyz, in_rotation, in_scale, in_opacity, in_sh_dc, in_sh_rest,
              out_xyz, out_rotation, out_scale, out_opacity, out_sh_dc, out_sh_rest):
    pos_weight, rot_weight, scale_weight, opacity_weight, sh_weight = 1.0, 0.5, 0.5, 0.3, 0.2
    dist = _cdist(out_xyz, in_xyz)                  # [B, M, N]
    min_out_to_in = jnp.min(dist, axis=2)           # [B, M]
    match_idx = jnp.argmin(dist, axis=2)            # [B, M]
    min_in_to_out = jnp.min(dist, axis=1)           # [B, N]
    pos_loss = (jnp.mean(min_out_to_in) + jnp.mean(min_in_to_out)) / 2.0
    idx = match_idx[:, :, None]                     # [B, M, 1]
    matched_rot = jnp.take_along_axis(in_rotation, idx, axis=1)
    matched_scale = jnp.take_along_axis(in_scale, idx, axis=1)
    matched_opacity = jnp.take_along_axis(in_opacity, idx, axis=1)
    matched_sh_dc = jnp.take_along_axis(in_sh_dc, idx, axis=1)
    matched_sh_rest = jnp.take_along_axis(in_sh_rest, idx, axis=1)
    rot_dot = jnp.abs(jnp.sum(out_rotation * matched_rot, axis=-1))
    rot_loss = jnp.mean(1.0 - rot_dot)
    scale_loss = jnp.mean(jnp.abs(out_scale - matched_scale))
    opacity_loss = jnp.mean(jnp.abs(out_opacity - matched_opacity))
    sh_loss = jnp.mean(jnp.abs(out_sh_dc - matched_sh_dc)) + jnp.mean(jnp.abs(out_sh_rest - matched_sh_rest))
    total_loss = (pos_weight * pos_loss + rot_weight * rot_loss + scale_weight * scale_loss
                  + opacity_weight * opacity_loss + sh_weight * sh_loss)
    return total_loss

if __name__ == "__main__":
    import jax
    _d = setup_inputs()
    print(jax.jit(kernel)(*tuple(_d.values())))

</pallas_src>

<mosaic_0001>
#map = affine_map<(d0, d1) -> (0, 0)>
#map1 = affine_map<(d0, d1) -> (0)>
module attributes {stable_mosaic.version = 14 : i64} {
  func.func @_sc_body(%arg0: i32, %arg1: i32, %arg2: memref<16384x64xf32, #tpu.memory_space<hbm>>, %arg3: memref<16384x64xf32, #tpu.memory_space<hbm>>, %arg4: memref<16384xi32, #tpu.memory_space<hbm>>, %arg5: memref<32x16xf32, #tpu.memory_space<hbm>>, %arg6: memref<512xi32, #tpu.memory_space<vmem>>, %arg7: memref<512x64xf32, #tpu.memory_space<vmem>>, %arg8: memref<512x64xf32, #tpu.memory_space<vmem>>, %arg9: memref<16xf32, #tpu.memory_space<vmem>>, %arg10: memref<!tpu.dma_semaphore, #tpu.memory_space<semaphore_mem>>, %arg11: memref<!tpu.dma_semaphore, #tpu.memory_space<semaphore_mem>>) attributes {dimension_semantics = [#tpu.dimension_semantics<core_parallel>, #tpu.dimension_semantics<subcore_parallel>], iteration_bounds = array<i64: 2, 16>, scalar_prefetch = 0 : i64, scratch_operands = 6 : i64, tpu.core_type = #tpu.core_type<sc_vector_subcore>, window_params = [{transform_indices = #map}, {transform_indices = #map}, {transform_indices = #map1}, {transform_indices = #map}]} {
    %mul3A = arith.constant 2 : i32
    %mul3A_0 = arith.muli %arg1, %mul3A : i32
    %add3A = arith.addi %mul3A_0, %arg0 : i32
    %mul3A_1 = arith.constant 512 : i32
    %mul3A_2 = arith.muli %add3A, %mul3A_1 : i32
    %dma_start3A = tpu.memref_slice %arg4[%mul3A_2] : memref<16384xi32, #tpu.memory_space<hbm>> -> memref<512xi32, #tpu.memory_space<hbm>>
    %dma_start3A_3 = tpu.memref_slice %arg4[%mul3A_2] : memref<16384xi32, #tpu.memory_space<hbm>> -> memref<512xi32, #tpu.memory_space<hbm>>
    tpu.enqueue_dma source(%dma_start3A_3 : memref<512xi32, #tpu.memory_space<hbm>>) target(%arg6 : memref<512xi32, #tpu.memory_space<vmem>>) target_semaphore(%arg11 : memref<!tpu.dma_semaphore, #tpu.memory_space<semaphore_mem>>)
    %dma_start3A_4 = arith.constant 0 : i32
    %dma_start3A_5 = tpu.memref_slice %arg3[%mul3A_2, %dma_start3A_4] : memref<16384x64xf32, #tpu.memory_space<hbm>> -> memref<512x64xf32, #tpu.memory_space<hbm>>
    %dma_start3A_6 = arith.constant 0 : i32
    %dma_start3A_7 = tpu.memref_slice %arg3[%mul3A_2, %dma_start3A_6] : memref<16384x64xf32, #tpu.memory_space<hbm>> -> memref<512x64xf32, #tpu.memory_space<hbm>>
    tpu.enqueue_dma source(%dma_start3A_7 : memref<512x64xf32, #tpu.memory_space<hbm>>) target(%arg8 : memref<512x64xf32, #tpu.memory_space<vmem>>) target_semaphore(%arg10 : memref<!tpu.dma_semaphore, #tpu.memory_space<semaphore_mem>>)
    %dma_wait3A = tpu.memref_slice %arg4[%mul3A_2] : memref<16384xi32, #tpu.memory_space<hbm>> -> memref<512xi32, #tpu.memory_space<hbm>>
    %dma_wait3A_8 = tpu.memref_slice %arg4[%mul3A_2] : memref<16384xi32, #tpu.memory_space<hbm>> -> memref<512xi32, #tpu.memory_space<hbm>>
    tpu.wait_dma2 semaphore(%arg11 : memref<!tpu.dma_semaphore, #tpu.memory_space<semaphore_mem>>) src(%dma_wait3A_8 : memref<512xi32, #tpu.memory_space<hbm>>) dst(%arg6 : memref<512xi32, #tpu.memory_space<vmem>>)
    %dma_start3A_9 = arith.constant 0 : i32
    %dma_start3A_10 = arith.constant 0 : i32
    %dma_start3A_11 = tpu.memref_slice %arg7[%dma_start3A_9, %dma_start3A_10] : memref<512x64xf32, #tpu.memory_space<vmem>> -> memref<128x64xf32, #tpu.memory_space<vmem>>
    %dma_start3A_12 = arith.constant 0 : i32
    %dma_start3A_13 = tpu.memref_slice %arg6[%dma_start3A_12] : memref<512xi32, #tpu.memory_space<vmem>> -> memref<128xi32, #tpu.memory_space<vmem>>
    %dma_start3A_14 = arith.constant 0 : i32
    %dma_start3A_15 = arith.constant 0 : i32
    %dma_start3A_16 = tpu.memref_slice %arg2[%dma_start3A_14, %dma_start3A_15] : memref<16384x64xf32, #tpu.memory_space<hbm>> -> memref<16384x64xf32, #tpu.memory_space<hbm>>
    tpu.enqueue_indirect_dma source(%dma_start3A_16 : memref<16384x64xf32, #tpu.memory_space<hbm>>) target(%dma_start3A_11 : memref<128x64xf32, #tpu.memory_space<vmem>>) offsets(%dma_start3A_13 : memref<128xi32, #tpu.memory_space<vmem>>) semaphore(%arg10 : memref<!tpu.dma_semaphore, #tpu.memory_space<semaphore_mem>>)
    %dma_start3A_17 = arith.constant 128 : i32
    %dma_start3A_18 = arith.constant 0 : i32
    %dma_start3A_19 = tpu.memref_slice %arg7[%dma_start3A_17, %dma_start3A_18] : memref<512x64xf32, #tpu.memory_space<vmem>> -> memref<128x64xf32, #tpu.memory_space<vmem>>
    %dma_start3A_20 = arith.constant 128 : i32
    %dma_start3A_21 = tpu.memref_slice %arg6[%dma_start3A_20] : memref<512xi32, #tpu.memory_space<vmem>> -> memref<128xi32, #tpu.memory_space<vmem>>
    %dma_start3A_22 = arith.constant 0 : i32
    %dma_start3A_23 = arith.constant 0 : i32
    %dma_start3A_24 = tpu.memref_slice %arg2[%dma_start3A_22, %dma_start3A_23] : memref<16384x64xf32, #tpu.memory_space<hbm>> -> memref<16384x64xf32, #tpu.memory_space<hbm>>
    tpu.enqueue_indirect_dma source(%dma_start3A_24 : memref<16384x64xf32, #tpu.memory_space<hbm>>) target(%dma_start3A_19 : memref<128x64xf32, #tpu.memory_space<vmem>>) offsets(%dma_start3A_21 : memref<128xi32, #tpu.memory_space<vmem>>) semaphore(%arg10 : memref<!tpu.dma_semaphore, #tpu.memory_space<semaphore_mem>>)
    %dma_start3A_25 = arith.constant 256 : i32
    %dma_start3A_26 = arith.constant 0 : i32
    %dma_start3A_27 = tpu.memref_slice %arg7[%dma_start3A_25, %dma_start3A_26] : memref<512x64xf32, #tpu.memory_space<vmem>> -> memref<128x64xf32, #tpu.memory_space<vmem>>
    %dma_start3A_28 = arith.constant 256 : i32
    %dma_start3A_29 = tpu.memref_slice %arg6[%dma_start3A_28] : memref<512xi32, #tpu.memory_space<vmem>> -> memref<128xi32, #tpu.memory_space<vmem>>
    %dma_start3A_30 = arith.constant 0 : i32
    %dma_start3A_31 = arith.constant 0 : i32
    %dma_start3A_32 = tpu.memref_slice %arg2[%dma_start3A_30, %dma_start3A_31] : memref<16384x64xf32, #tpu.memory_space<hbm>> -> memref<16384x64xf32, #tpu.memory_space<hbm>>
    tpu.enqueue_indirect_dma source(%dma_start3A_32 : memref<16384x64xf32, #tpu.memory_space<hbm>>) target(%dma_start3A_27 : memref<128x64xf32, #tpu.memory_space<vmem>>) offsets(%dma_start3A_29 : memref<128xi32, #tpu.memory_space<vmem>>) semaphore(%arg10 : memref<!tpu.dma_semaphore, #tpu.memory_space<semaphore_mem>>)
    %dma_start3A_33 = arith.constant 384 : i32
    %dma_start3A_34 = arith.constant 0 : i32
    %dma_start3A_35 = tpu.memref_slice %arg7[%dma_start3A_33, %dma_start3A_34] : memref<512x64xf32, #tpu.memory_space<vmem>> -> memref<128x64xf32, #tpu.memory_space<vmem>>
    %dma_start3A_36 = arith.constant 384 : i32
    %dma_start3A_37 = tpu.memref_slice %arg6[%dma_start3A_36] : memref<512xi32, #tpu.memory_space<vmem>> -> memref<128xi32, #tpu.memory_space<vmem>>
    %dma_start3A_38 = arith.constant 0 : i32
    %dma_start3A_39 = arith.constant 0 : i32
    %dma_start3A_40 = tpu.memref_slice %arg2[%dma_start3A_38, %dma_start3A_39] : memref<16384x64xf32, #tpu.memory_space<hbm>> -> memref<16384x64xf32, #tpu.memory_space<hbm>>
    tpu.enqueue_indirect_dma source(%dma_start3A_40 : memref<16384x64xf32, #tpu.memory_space<hbm>>) target(%dma_start3A_35 : memref<128x64xf32, #tpu.memory_space<vmem>>) offsets(%dma_start3A_37 : memref<128xi32, #tpu.memory_space<vmem>>) semaphore(%arg10 : memref<!tpu.dma_semaphore, #tpu.memory_space<semaphore_mem>>)
    %dma_wait3A_41 = arith.constant 0 : i32
    %dma_wait3A_42 = tpu.memref_slice %arg3[%mul3A_2, %dma_wait3A_41] : memref<16384x64xf32, #tpu.memory_space<hbm>> -> memref<512x64xf32, #tpu.memory_space<hbm>>
    %dma_wait3A_43 = arith.constant 0 : i32
    %dma_wait3A_44 = tpu.memref_slice %arg3[%mul3A_2, %dma_wait3A_43] : memref<16384x64xf32, #tpu.memory_space<hbm>> -> memref<512x64xf32, #tpu.memory_space<hbm>>
    tpu.wait_dma2 semaphore(%arg10 : memref<!tpu.dma_semaphore, #tpu.memory_space<semaphore_mem>>) src(%dma_wait3A_44 : memref<512x64xf32, #tpu.memory_space<hbm>>) dst(%arg8 : memref<512x64xf32, #tpu.memory_space<vmem>>)
    %dma_wait3A_45 = arith.constant 0 : i32
    %dma_wait3A_46 = arith.constant 0 : i32
    %dma_wait3A_47 = tpu.memref_slice %arg7[%dma_wait3A_45, %dma_wait3A_46] : memref<512x64xf32, #tpu.memory_space<vmem>> -> memref<128x64xf32, #tpu.memory_space<vmem>>
    %dma_wait3A_48 = arith.constant 0 : i32
    %dma_wait3A_49 = tpu.memref_slice %arg6[%dma_wait3A_48] : memref<512xi32, #tpu.memory_space<vmem>> -> memref<128xi32, #tpu.memory_space<vmem>>
    %dma_wait3A_50 = arith.constant 0 : i32
    %dma_wait3A_51 = arith.constant 0 : i32
    %dma_wait3A_52 = tpu.memref_slice %arg2[%dma_wait3A_50, %dma_wait3A_51] : memref<16384x64xf32, #tpu.memory_space<hbm>> -> memref<16384x64xf32, #tpu.memory_space<hbm>>
    tpu.wait_indirect_dma semaphore(%arg10 : memref<!tpu.dma_semaphore, #tpu.memory_space<semaphore_mem>>) src(%dma_wait3A_52 : memref<16384x64xf32, #tpu.memory_space<hbm>>) dst(%dma_wait3A_47 : memref<128x64xf32, #tpu.memory_space<vmem>>)
    %dma_wait3A_53 = arith.constant 128 : i32
    %dma_wait3A_54 = arith.constant 0 : i32
    %dma_wait3A_55 = tpu.memref_slice %arg7[%dma_wait3A_53, %dma_wait3A_54] : memref<512x64xf32, #tpu.memory_space<vmem>> -> memref<128x64xf32, #tpu.memory_space<vmem>>
    %dma_wait3A_56 = arith.constant 128 : i32
    %dma_wait3A_57 = tpu.memref_slice %arg6[%dma_wait3A_56] : memref<512xi32, #tpu.memory_space<vmem>> -> memref<128xi32, #tpu.memory_space<vmem>>
    %dma_wait3A_58 = arith.constant 0 : i32
    %dma_wait3A_59 = arith.constant 0 : i32
    %dma_wait3A_60 = tpu.memref_slice %arg2[%dma_wait3A_58, %dma_wait3A_59] : memref<16384x64xf32, #tpu.memory_space<hbm>> -> memref<16384x64xf32, #tpu.memory_space<hbm>>
    tpu.wait_indirect_dma semaphore(%arg10 : memref<!tpu.dma_semaphore, #tpu.memory_space<semaphore_mem>>) src(%dma_wait3A_60 : memref<16384x64xf32, #tpu.memory_space<hbm>>) dst(%dma_wait3A_55 : memref<128x64xf32, #tpu.memory_space<vmem>>)
    %dma_wait3A_61 = arith.constant 256 : i32
    %dma_wait3A_62 = arith.constant 0 : i32
    %dma_wait3A_63 = tpu.memref_slice %arg7[%dma_wait3A_61, %dma_wait3A_62] : memref<512x64xf32, #tpu.memory_space<vmem>> -> memref<128x64xf32, #tpu.memory_space<vmem>>
    %dma_wait3A_64 = arith.constant 256 : i32
    %dma_wait3A_65 = tpu.memref_slice %arg6[%dma_wait3A_64] : memref<512xi32, #tpu.memory_space<vmem>> -> memref<128xi32, #tpu.memory_space<vmem>>
    %dma_wait3A_66 = arith.constant 0 : i32
    %dma_wait3A_67 = arith.constant 0 : i32
    %dma_wait3A_68 = tpu.memref_slice %arg2[%dma_wait3A_66, %dma_wait3A_67] : memref<16384x64xf32, #tpu.memory_space<hbm>> -> memref<16384x64xf32, #tpu.memory_space<hbm>>
    tpu.wait_indirect_dma semaphore(%arg10 : memref<!tpu.dma_semaphore, #tpu.memory_space<semaphore_mem>>) src(%dma_wait3A_68 : memref<16384x64xf32, #tpu.memory_space<hbm>>) dst(%dma_wait3A_63 : memref<128x64xf32, #tpu.memory_space<vmem>>)
    %dma_wait3A_69 = arith.constant 384 : i32
    %dma_wait3A_70 = arith.constant 0 : i32
    %dma_wait3A_71 = tpu.memref_slice %arg7[%dma_wait3A_69, %dma_wait3A_70] : memref<512x64xf32, #tpu.memory_space<vmem>> -> memref<128x64xf32, #tpu.memory_space<vmem>>
    %dma_wait3A_72 = arith.constant 384 : i32
    %dma_wait3A_73 = tpu.memref_slice %arg6[%dma_wait3A_72] : memref<512xi32, #tpu.memory_space<vmem>> -> memref<128xi32, #tpu.memory_space<vmem>>
    %dma_wait3A_74 = arith.constant 0 : i32
    %dma_wait3A_75 = arith.constant 0 : i32
    %dma_wait3A_76 = tpu.memref_slice %arg2[%dma_wait3A_74, %dma_wait3A_75] : memref<16384x64xf32, #tpu.memory_space<hbm>> -> memref<16384x64xf32, #tpu.memory_space<hbm>>
    tpu.wait_indirect_dma semaphore(%arg10 : memref<!tpu.dma_semaphore, #tpu.memory_space<semaphore_mem>>) src(%dma_wait3A_76 : memref<16384x64xf32, #tpu.memory_space<hbm>>) dst(%dma_wait3A_71 : memref<128x64xf32, #tpu.memory_space<vmem>>)
    %iota3A = tpu.iota {dimensions = array<i32: 0>} : vector<16xi32>
    %broadcast_in_dim3A = arith.constant 0.000000e+00 : f32
    %broadcast_in_dim3A_77 = vector.broadcast %broadcast_in_dim3A : f32 to vector<16xf32>
    %lt3A = arith.constant 4 : i32
    %lt3A_78 = vector.broadcast %lt3A : i32 to vector<16xi32>
    %lt3A_79 = arith.cmpi slt, %iota3A, %lt3A_78 : vector<16xi32>
    %lt3A_80 = arith.constant 7 : i32
    %lt3A_81 = vector.broadcast %lt3A_80 : i32 to vector<16xi32>
    %lt3A_82 = arith.cmpi slt, %iota3A, %lt3A_81 : vector<16xi32>
    %lt3A_83 = arith.constant 8 : i32
    %lt3A_84 = vector.broadcast %lt3A_83 : i32 to vector<16xi32>
    %lt3A_85 = arith.cmpi slt, %iota3A, %lt3A_84 : vector<16xi32>
    %lt3A_86 = arith.constant 11 : i32
    %lt3A_87 = vector.broadcast %lt3A_86 : i32 to vector<16xi32>
    %lt3A_88 = arith.cmpi slt, %iota3A, %lt3A_87 : vector<16xi32>
    %jit3A = arith.constant 4.06901063E-6 : f32
    %jit3A_89 = arith.constant 2.71267368E-7 : f32
    %broadcast_in_dim3A_90 = vector.broadcast %jit3A : f32 to vector<16xf32>
    %broadcast_in_dim3A_91 = vector.broadcast %jit3A_89 : f32 to vector<16xf32>
    %select_n3A = arith.select %lt3A_88, %broadcast_in_dim3A_90, %broadcast_in_dim3A_91 : vector<16xi1>, vector<16xf32>
    %jit3A_92 = arith.constant 1.83105476E-5 : f32
    %broadcast_in_dim3A_93 = vector.broadcast %jit3A_92 : f32 to vector<16xf32>
    %select_n3A_94 = arith.select %lt3A_85, %broadcast_in_dim3A_93, %select_n3A : vector<16xi1>, vector<16xf32>
    %jit3A_95 = arith.constant 1.01725263E-5 : f32
    %broadcast_in_dim3A_96 = vector.broadcast %jit3A_95 : f32 to vector<16xf32>
    %select_n3A_97 = arith.select %lt3A_82, %broadcast_in_dim3A_96, %select_n3A_94 : vector<16xi1>, vector<16xf32>
    %jit3A_98 = arith.constant 0.000000e+00 : f32
    %broadcast_in_dim3A_99 = vector.broadcast %jit3A_98 : f32 to vector<16xf32>
    %select_n3A_100 = arith.select %lt3A_79, %broadcast_in_dim3A_99, %select_n3A_97 : vector<16xi1>, vector<16xf32>
    %broadcast_in_dim3A_101 = arith.constant 2.71267368E-7 : f32
    %broadcast_in_dim3A_102 = vector.broadcast %broadcast_in_dim3A_101 : f32 to vector<16xf32>
    %broadcast_in_dim3A_103 = arith.constant 2.71267368E-7 : f32
    %broadcast_in_dim3A_104 = vector.broadcast %broadcast_in_dim3A_103 : f32 to vector<16xf32>
    %lt3A_105 = arith.constant 8 : i32
    %lt3A_106 = vector.broadcast %lt3A_105 : i32 to vector<16xi32>
    %lt3A_107 = arith.cmpi slt, %iota3A, %lt3A_106 : vector<16xi32>
    %jit3A_108 = arith.constant 2.71267368E-7 : f32
    %jit3A_109 = arith.constant 0.000000e+00 : f32
    %broadcast_in_dim3A_110 = vector.broadcast %jit3A_108 : f32 to vector<16xf32>
    %broadcast_in_dim3A_111 = vector.broadcast %jit3A_109 : f32 to vector<16xf32>
    %select_n3A_112 = arith.select %lt3A_107, %broadcast_in_dim3A_110, %broadcast_in_dim3A_111 : vector<16xi1>, vector<16xf32>
    %parallel_loop3A = arith.constant 0 : i32
    %parallel_loop3A_113 = arith.constant 32 : i32
    %parallel_loop3A_114 = arith.constant 1 : i32
    %parallel_loop3A_115:5 = scf.for %parallel_loop3A_124 = %parallel_loop3A to %parallel_loop3A_113 step %parallel_loop3A_114 iter_args(%parallel_loop3A_125 = %broadcast_in_dim3A_77, %parallel_loop3A_126 = %broadcast_in_dim3A_77, %parallel_loop3A_127 = %broadcast_in_dim3A_77, %parallel_loop3A_128 = %broadcast_in_dim3A_77, %parallel_loop3A_129 = %broadcast_in_dim3A_77) -> (vector<16xf32>, vector<16xf32>, vector<16xf32>, vector<16xf32>, vector<16xf32>)  : i32 {
      %parallel_loop3A_130 = arith.constant 16 : i32
      %parallel_loop3A_131 = arith.muli %parallel_loop3A_124, %parallel_loop3A_130 : i32
      %parallel_loop3A_132 = vector.broadcast %parallel_loop3A_131 : i32 to vector<16xi32>
      %parallel_loop3A_133 = arith.addi %parallel_loop3A_132, %iota3A : vector<16xi32>
      %parallel_loop3A_134 = arith.constant 0 : i32
      %parallel_loop3A_135 = vector.broadcast %parallel_loop3A_134 : i32 to vector<16xi32>
      %parallel_loop3A_136 = tpu.vector_load_idx %arg7[%parallel_loop3A_133, %parallel_loop3A_135] : memref<512x64xf32, #tpu.memory_space<vmem>>[vector<16xi32>, vector<16xi32>], vector<16xf32>,
      %parallel_loop3A_137 = tpu.vector_load_idx %arg8[%parallel_loop3A_133, %parallel_loop3A_135] : memref<512x64xf32, #tpu.memory_space<vmem>>[vector<16xi32>, vector<16xi32>], vector<16xf32>,
      %parallel_loop3A_138 = arith.mulf %parallel_loop3A_136, %parallel_loop3A_137 : vector<16xf32>
      %parallel_loop3A_139 = arith.addf %broadcast_in_dim3A_77, %parallel_loop3A_138 : vector<16xf32>
      %parallel_loop3A_140 = arith.constant 1 : i32
      %parallel_loop3A_141 = vector.broadcast %parallel_loop3A_140 : i32 to vector<16xi32>
      %parallel_loop3A_142 = tpu.vector_load_idx %arg7[%parallel_loop3A_133, %parallel_loop3A_141] : memref<512x64xf32, #tpu.memory_space<vmem>>[vector<16xi32>, vector<16xi32>], vector<16xf32>,
      %parallel_loop3A_143 = tpu.vector_load_idx %arg8[%parallel_loop3A_133, %parallel_loop3A_141] : memref<512x64xf32, #tpu.memory_space<vmem>>[vector<16xi32>, vector<16xi32>], vector<16xf32>,
      %parallel_loop3A_144 = arith.mulf %parallel_loop3A_142, %parallel_loop3A_143 : vector<16xf32>
      %parallel_loop3A_145 = arith.addf %parallel_loop3A_139, %parallel_loop3A_144 : vector<16xf32>
      %parallel_loop3A_146 = arith.constant 2 : i32
      %parallel_loop3A_147 = vector.broadcast %parallel_loop3A_146 : i32 to vector<16xi32>
      %parallel_loop3A_148 = tpu.vector_load_idx %arg7[%parallel_loop3A_133, %parallel_loop3A_147] : memref<512x64xf32, #tpu.memory_space<vmem>>[vector<16xi32>, vector<16xi32>], vector<16xf32>,
      %parallel_loop3A_149 = tpu.vector_load_idx %arg8[%parallel_loop3A_133, %parallel_loop3A_147] : memref<512x64xf32, #tpu.memory_space<vmem>>[vector<16xi32>, vector<16xi32>], vector<16xf32>,
      %parallel_loop3A_150 = arith.mulf %parallel_loop3A_148, %parallel_loop3A_149 : vector<16xf32>
      %parallel_loop3A_151 = arith.addf %parallel_loop3A_145, %parallel_loop3A_150 : vector<16xf32>
      %parallel_loop3A_152 = arith.constant 3 : i32
      %parallel_loop3A_153 = vector.broadcast %parallel_loop3A_152 : i32 to vector<16xi32>
      %parallel_loop3A_154 = tpu.vector_load_idx %arg7[%parallel_loop3A_133, %parallel_loop3A_153] : memref<512x64xf32, #tpu.memory_space<vmem>>[vector<16xi32>, vector<16xi32>], vector<16xf32>,
      %parallel_loop3A_155 = tpu.vector_load_idx %arg8[%parallel_loop3A_133, %parallel_loop3A_153] : memref<512x64xf32, #tpu.memory_space<vmem>>[vector<16xi32>, vector<16xi32>], vector<16xf32>,
      %parallel_loop3A_156 = arith.mulf %parallel_loop3A_154, %parallel_loop3A_155 : vector<16xf32>
      %parallel_loop3A_157 = arith.addf %parallel_loop3A_151, %parallel_loop3A_156 : vector<16xf32>
      %parallel_loop3A_158 = math.absf %parallel_loop3A_157 : vector<16xf32>
      %parallel_loop3A_159 = arith.constant 1.000000e+00 : f32
      %parallel_loop3A_160 = vector.broadcast %parallel_loop3A_159 : f32 to vector<16xf32>
      %parallel_loop3A_161 = arith.subf %parallel_loop3A_160, %parallel_loop3A_158 : vector<16xf32>
      %parallel_loop3A_162 = arith.addf %parallel_loop3A_129, %parallel_loop3A_161 : vector<16xf32>
      %parallel_loop3A_163 = arith.constant 16 : i32
      %parallel_loop3A_164 = arith.muli %parallel_loop3A_124, %parallel_loop3A_163 : i32
      %parallel_loop3A_165 = arith.constant 0 : i32
      %parallel_loop3A_166 = arith.addi %parallel_loop3A_164, %parallel_loop3A_165 : i32
      %parallel_loop3A_167 = arith.index_cast %parallel_loop3A_166 : i32 to index
      %parallel_loop3A_168 = arith.constant 0 : index
      %parallel_loop3A_169 = tpu.vector_load %arg7[%parallel_loop3A_167, %parallel_loop3A_168] {strides = array<i32>} : memref<512x64xf32, #tpu.memory_space<vmem>>, vector<16xf32>,
      %parallel_loop3A_170 = arith.index_cast %parallel_loop3A_166 : i32 to index
      %parallel_loop3A_171 = arith.constant 0 : index
      %parallel_loop3A_172 = tpu.vector_load %arg8[%parallel_loop3A_170, %parallel_loop3A_171] {strides = array<i32>} : memref<512x64xf32, #tpu.memory_space<vmem>>, vector<16xf32>,
      %parallel_loop3A_173 = arith.subf %parallel_loop3A_169, %parallel_loop3A_172 : vector<16xf32>
      %parallel_loop3A_174 = math.absf %parallel_loop3A_173 : vector<16xf32>
      %parallel_loop3A_175 = arith.mulf %select_n3A_100, %parallel_loop3A_174 : vector<16xf32>
      %parallel_loop3A_176 = arith.addf %parallel_loop3A_125, %parallel_loop3A_175 : vector<16xf32>
      %parallel_loop3A_177 = arith.index_cast %parallel_loop3A_166 : i32 to index
      %parallel_loop3A_178 = arith.constant 16 : index
      %parallel_loop3A_179 = tpu.vector_load %arg7[%parallel_loop3A_177, %parallel_loop3A_178] {strides = array<i32>} : memref<512x64xf32, #tpu.memory_space<vmem>>, vector<16xf32>,
      %parallel_loop3A_180 = arith.index_cast %parallel_loop3A_166 : i32 to index
      %parallel_loop3A_181 = arith.constant 16 : index
      %parallel_loop3A_182 = tpu.vector_load %arg8[%parallel_loop3A_180, %parallel_loop3A_181] {strides = array<i32>} : memref<512x64xf32, #tpu.memory_space<vmem>>, vector<16xf32>,
      %parallel_loop3A_183 = arith.subf %parallel_loop3A_179, %parallel_loop3A_182 : vector<16xf32>
      %parallel_loop3A_184 = math.absf %parallel_loop3A_183 : vector<16xf32>
      %parallel_loop3A_185 = arith.mulf %broadcast_in_dim3A_102, %parallel_loop3A_184 : vector<16xf32>
      %parallel_loop3A_186 = arith.addf %parallel_loop3A_126, %parallel_loop3A_185 : vector<16xf32>
      %parallel_loop3A_187 = arith.index_cast %parallel_loop3A_166 : i32 to index
      %parallel_loop3A_188 = arith.constant 32 : index
      %parallel_loop3A_189 = tpu.vector_load %arg7[%parallel_loop3A_187, %parallel_loop3A_188] {strides = array<i32>} : memref<512x64xf32, #tpu.memory_space<vmem>>, vector<16xf32>,
      %parallel_loop3A_190 = arith.index_cast %parallel_loop3A_166 : i32 to index
      %parallel_loop3A_191 = arith.constant 32 : index
      %parallel_loop3A_192 = tpu.vector_load %arg8[%parallel_loop3A_190, %parallel_loop3A_191] {strides = array<i32>} : memref<512x64xf32, #tpu.memory_space<vmem>>, vector<16xf32>,
      %parallel_loop3A_193 = arith.subf %parallel_loop3A_189, %parallel_loop3A_192 : vector<16xf32>
      %parallel_loop3A_194 = math.absf %parallel_loop3A_193 : vector<16xf32>
      %parallel_loop3A_195 = arith.mulf %broadcast_in_dim3A_104, %parallel_loop3A_194 : vector<16xf32>
      %parallel_loop3A_196 = arith.addf %parallel_loop3A_127, %parallel_loop3A_195 : vector<16xf32>
      %parallel_loop3A_197 = arith.index_cast %parallel_loop3A_166 : i32 to index
      %parallel_loop3A_198 = arith.constant 48 : index
      %parallel_loop3A_199 = tpu.vector_load %arg7[%parallel_loop3A_197, %parallel_loop3A_198] {strides = array<i32>} : memref<512x64xf32, #tpu.memory_space<vmem>>, vector<16xf32>,
      %parallel_loop3A_200 = arith.index_cast %parallel_loop3A_166 : i32 to index
      %parallel_loop3A_201 = arith.constant 48 : index
      %parallel_loop3A_202 = tpu.vector_load %arg8[%parallel_loop3A_200, %parallel_loop3A_201] {strides = array<i32>} : memref<512x64xf32, #tpu.memory_space<vmem>>, vector<16xf32>,
      %parallel_loop3A_203 = arith.subf %parallel_loop3A_199, %parallel_loop3A_202 : vector<16xf32>
      %parallel_loop3A_204 = math.absf %parallel_loop3A_203 : vector<16xf32>
      %parallel_loop3A_205 = arith.mulf %select_n3A_112, %parallel_loop3A_204 : vector<16xf32>
      %parallel_loop3A_206 = arith.addf %parallel_loop3A_128, %parallel_loop3A_205 : vector<16xf32>
      %parallel_loop3A_207 = arith.constant 16 : i32
      %parallel_loop3A_208 = arith.muli %parallel_loop3A_124, %parallel_loop3A_207 : i32
      %parallel_loop3A_209 = arith.constant 1 : i32
      %parallel_loop3A_210 = arith.addi %parallel_loop3A_208, %parallel_loop3A_209 : i32
      %parallel_loop3A_211 = arith.index_cast %parallel_loop3A_210 : i32 to index
      %parallel_loop3A_212 = arith.constant 0 : index
      %parallel_loop3A_213 = tpu.vector_load %arg7[%parallel_loop3A_211, %parallel_loop3A_212] {strides = array<i32>} : memref<512x64xf32, #tpu.memory_space<vmem>>, vector<16xf32>,
      %parallel_loop3A_214 = arith.index_cast %parallel_loop3A_210 : i32 to index
      %parallel_loop3A_215 = arith.constant 0 : index
      %parallel_loop3A_216 = tpu.vector_load %arg8[%parallel_loop3A_214, %parallel_loop3A_215] {strides = array<i32>} : memref<512x64xf32, #tpu.memory_space<vmem>>, vector<16xf32>,
      %parallel_loop3A_217 = arith.subf %parallel_loop3A_213, %parallel_loop3A_216 : vector<16xf32>
      %parallel_loop3A_218 = math.absf %parallel_loop3A_217 : vector<16xf32>
      %parallel_loop3A_219 = arith.mulf %select_n3A_100, %parallel_loop3A_218 : vector<16xf32>
      %parallel_loop3A_220 = arith.addf %parallel_loop3A_176, %parallel_loop3A_219 : vector<16xf32>
      %parallel_loop3A_221 = arith.index_cast %parallel_loop3A_210 : i32 to index
      %parallel_loop3A_222 = arith.constant 16 : index
      %parallel_loop3A_223 = tpu.vector_load %arg7[%parallel_loop3A_221, %parallel_loop3A_222] {strides = array<i32>} : memref<512x64xf32, #tpu.memory_space<vmem>>, vector<16xf32>,
      %parallel_loop3A_224 = arith.index_cast %parallel_loop3A_210 : i32 to index
      %parallel_loop3A_225 = arith.constant 16 : index
      %parallel_loop3A_226 = tpu.vector_load %arg8[%parallel_loop3A_224, %parallel_loop3A_225] {strides = array<i32>} : memref<512x64xf32, #tpu.memory_space<vmem>>, vector<16xf32>,
      %parallel_loop3A_227 = arith.subf %parallel_loop3A_223, %parallel_loop3A_226 : vector<16xf32>
      %parallel_loop3A_228 = math.absf %parallel_loop3A_227 : vector<16xf32>
      %parallel_loop3A_229 = arith.mulf %broadcast_in_dim3A_102, %parallel_loop3A_228 : vector<16xf32>
      %parallel_loop3A_230 = arith.addf %parallel_loop3A_186, %parallel_loop3A_229 : vector<16xf32>
      %parallel_loop3A_231 = arith.index_cast %parallel_loop3A_210 : i32 to index
      %parallel_loop3A_232 = arith.constant 32 : index
      %parallel_loop3A_233 = tpu.vector_load %arg7[%parallel_loop3A_231, %parallel_loop3A_232] {strides = array<i32>} : memref<512x64xf32, #tpu.memory_space<vmem>>, vector<16xf32>,
      %parallel_loop3A_234 = arith.index_cast %parallel_loop3A_210 : i32 to index
      %parallel_loop3A_235 = arith.constant 32 : index
      %parallel_loop3A_236 = tpu.vector_load %arg8[%parallel_loop3A_234, %parallel_loop3A_235] {strides = array<i32>} : memref<512x64xf32, #tpu.memory_space<vmem>>, vector<16xf32>,
      %parallel_loop3A_237 = arith.subf %parallel_loop3A_233, %parallel_loop3A_236 : vector<16xf32>
      %parallel_loop3A_238 = math.absf %parallel_loop3A_237 : vector<16xf32>
      %parallel_loop3A_239 = arith.mulf %broadcast_in_dim3A_104, %parallel_loop3A_238 : vector<16xf32>
      %parallel_loop3A_240 = arith.addf %parallel_loop3A_196, %parallel_loop3A_239 : vector<16xf32>
      %parallel_loop3A_241 = arith.index_cast %parallel_loop3A_210 : i32 to index
      %parallel_loop3A_242 = arith.constant 48 : index
      %parallel_loop3A_243 = tpu.vector_load %arg7[%parallel_loop3A_241, %parallel_loop3A_242] {strides = array<i32>} : memref<512x64xf32, #tpu.memory_space<vmem>>, vector<16xf32>,
      %parallel_loop3A_244 = arith.index_cast %parallel_loop3A_210 : i32 to index
      %parallel_loop3A_245 = arith.constant 48 : index
      %parallel_loop3A_246 = tpu.vector_load %arg8[%parallel_loop3A_244, %parallel_loop3A_245] {strides = array<i32>} : memref<512x64xf32, #tpu.memory_space<vmem>>, vector<16xf32>,
      %parallel_loop3A_247 = arith.subf %parallel_loop3A_243, %parallel_loop3A_246 : vector<16xf32>
      %parallel_loop3A_248 = math.absf %parallel_loop3A_247 : vector<16xf32>
      %parallel_loop3A_249 = arith.mulf %select_n3A_112, %parallel_loop3A_248 : vector<16xf32>
      %parallel_loop3A_250 = arith.addf %parallel_loop3A_206, %parallel_loop3A_249 : vector<16xf32>
      %parallel_loop3A_251 = arith.constant 16 : i32
      %parallel_loop3A_252 = arith.muli %parallel_loop3A_124, %parallel_loop3A_251 : i32
      %parallel_loop3A_253 = arith.constant 2 : i32
      %parallel_loop3A_254 = arith.addi %parallel_loop3A_252, %parallel_loop3A_253 : i32
      %parallel_loop3A_255 = arith.index_cast %parallel_loop3A_254 : i32 to index
      %parallel_loop3A_256 = arith.constant 0 : index
      %parallel_loop3A_257 = tpu.vector_load %arg7[%parallel_loop3A_255, %parallel_loop3A_256] {strides = array<i32>} : memref<512x64xf32, #tpu.memory_space<vmem>>, vector<16xf32>,
      %parallel_loop3A_258 = arith.index_cast %parallel_loop3A_254 : i32 to index
      %parallel_loop3A_259 = arith.constant 0 : index
      %parallel_loop3A_260 = tpu.vector_load %arg8[%parallel_loop3A_258, %parallel_loop3A_259] {strides = array<i32>} : memref<512x64xf32, #tpu.memory_space<vmem>>, vector<16xf32>,
      %parallel_loop3A_261 = arith.subf %parallel_loop3A_257, %parallel_loop3A_260 : vector<16xf32>
      %parallel_loop3A_262 = math.absf %parallel_loop3A_261 : vector<16xf32>
      %parallel_loop3A_263 = arith.mulf %select_n3A_100, %parallel_loop3A_262 : vector<16xf32>
      %parallel_loop3A_264 = arith.addf %parallel_loop3A_220, %parallel_loop3A_263 : vector<16xf32>
      %parallel_loop3A_265 = arith.index_cast %parallel_loop3A_254 : i32 to index
      %parallel_loop3A_266 = arith.constant 16 : index
      %parallel_loop3A_267 = tpu.vector_load %arg7[%parallel_loop3A_265, %parallel_loop3A_266] {strides = array<i32>} : memref<512x64xf32, #tpu.memory_space<vmem>>, vector<16xf32>,
      %parallel_loop3A_268 = arith.index_cast %parallel_loop3A_254 : i32 to index
      %parallel_loop3A_269 = arith.constant 16 : index
      %parallel_loop3A_270 = tpu.vector_load %arg8[%parallel_loop3A_268, %parallel_loop3A_269] {strides = array<i32>} : memref<512x64xf32, #tpu.memory_space<vmem>>, vector<16xf32>,
      %parallel_loop3A_271 = arith.subf %parallel_loop3A_267, %parallel_loop3A_270 : vector<16xf32>
      %parallel_loop3A_272 = math.absf %parallel_loop3A_271 : vector<16xf32>
      %parallel_loop3A_273 = arith.mulf %broadcast_in_dim3A_102, %parallel_loop3A_272 : vector<16xf32>
      %parallel_loop3A_274 = arith.addf %parallel_loop3A_230, %parallel_loop3A_273 : vector<16xf32>
      %parallel_loop3A_275 = arith.index_cast %parallel_loop3A_254 : i32 to index
      %parallel_loop3A_276 = arith.constant 32 : index
      %parallel_loop3A_277 = tpu.vector_load %arg7[%parallel_loop3A_275, %parallel_loop3A_276] {strides = array<i32>} : memref<512x64xf32, #tpu.memory_space<vmem>>, vector<16xf32>,
      %parallel_loop3A_278 = arith.index_cast %parallel_loop3A_254 : i32 to index
      %parallel_loop3A_279 = arith.constant 32 : index
      %parallel_loop3A_280 = tpu.vector_load %arg8[%parallel_loop3A_278, %parallel_loop3A_279] {strides = array<i32>} : memref<512x64xf32, #tpu.memory_space<vmem>>, vector<16xf32>,
      %parallel_loop3A_281 = arith.subf %parallel_loop3A_277, %parallel_loop3A_280 : vector<16xf32>
      %parallel_loop3A_282 = math.absf %parallel_loop3A_281 : vector<16xf32>
      %parallel_loop3A_283 = arith.mulf %broadcast_in_dim3A_104, %parallel_loop3A_282 : vector<16xf32>
      %parallel_loop3A_284 = arith.addf %parallel_loop3A_240, %parallel_loop3A_283 : vector<16xf32>
      %parallel_loop3A_285 = arith.index_cast %parallel_loop3A_254 : i32 to index
      %parallel_loop3A_286 = arith.constant 48 : index
      %parallel_loop3A_287 = tpu.vector_load %arg7[%parallel_loop3A_285, %parallel_loop3A_286] {strides = array<i32>} : memref<512x64xf32, #tpu.memory_space<vmem>>, vector<16xf32>,
      %parallel_loop3A_288 = arith.index_cast %parallel_loop3A_254 : i32 to index
      %parallel_loop3A_289 = arith.constant 48 : index
      %parallel_loop3A_290 = tpu.vector_load %arg8[%parallel_loop3A_288, %parallel_loop3A_289] {strides = array<i32>} : memref<512x64xf32, #tpu.memory_space<vmem>>, vector<16xf32>,
      %parallel_loop3A_291 = arith.subf %parallel_loop3A_287, %parallel_loop3A_290 : vector<16xf32>
      %parallel_loop3A_292 = math.absf %parallel_loop3A_291 : vector<16xf32>
      %parallel_loop3A_293 = arith.mulf %select_n3A_112, %parallel_loop3A_292 : vector<16xf32>
      %parallel_loop3A_294 = arith.addf %parallel_loop3A_250, %parallel_loop3A_293 : vector<16xf32>
      %parallel_loop3A_295 = arith.constant 16 : i32
      %parallel_loop3A_296 = arith.muli %parallel_loop3A_124, %parallel_loop3A_295 : i32
      %parallel_loop3A_297 = arith.constant 3 : i32
      %parallel_loop3A_298 = arith.addi %parallel_loop3A_296, %parallel_loop3A_297 : i32
      %parallel_loop3A_299 = arith.index_cast %parallel_loop3A_298 : i32 to index
      %parallel_loop3A_300 = arith.constant 0 : index
      %parallel_loop3A_301 = tpu.vector_load %arg7[%parallel_loop3A_299, %parallel_loop3A_300] {strides = array<i32>} : memref<512x64xf32, #tpu.memory_space<vmem>>, vector<16xf32>,
      %parallel_loop3A_302 = arith.index_cast %parallel_loop3A_298 : i32 to index
      %parallel_loop3A_303 = arith.constant 0 : index
      %parallel_loop3A_304 = tpu.vector_load %arg8[%parallel_loop3A_302, %parallel_loop3A_303] {strides = array<i32>} : memref<512x64xf32, #tpu.memory_space<vmem>>, vector<16xf32>,
      %parallel_loop3A_305 = arith.subf %parallel_loop3A_301, %parallel_loop3A_304 : vector<16xf32>
      %parallel_loop3A_306 = math.absf %parallel_loop3A_305 : vector<16xf32>
      %parallel_loop3A_307 = arith.mulf %select_n3A_100, %parallel_loop3A_306 : vector<16xf32>
      %parallel_loop3A_308 = arith.addf %parallel_loop3A_264, %parallel_loop3A_307 : vector<16xf32>
      %parallel_loop3A_309 = arith.index_cast %parallel_loop3A_298 : i32 to index
      %parallel_loop3A_310 = arith.constant 16 : index
      %parallel_loop3A_311 = tpu.vector_load %arg7[%parallel_loop3A_309, %parallel_loop3A_310] {strides = array<i32>} : memref<512x64xf32, #tpu.memory_space<vmem>>, vector<16xf32>,
      %parallel_loop3A_312 = arith.index_cast %parallel_loop3A_298 : i32 to index
      %parallel_loop3A_313 = arith.constant 16 : index
      %parallel_loop3A_314 = tpu.vector_load %arg8[%parallel_loop3A_312, %parallel_loop3A_313] {strides = array<i32>} : memref<512x64xf32, #tpu.memory_space<vmem>>, vector<16xf32>,
      %parallel_loop3A_315 = arith.subf %parallel_loop3A_311, %parallel_loop3A_314 : vector<16xf32>
      %parallel_loop3A_316 = math.absf %parallel_loop3A_315 : vector<16xf32>
      %parallel_loop3A_317 = arith.mulf %broadcast_in_dim3A_102, %parallel_loop3A_316 : vector<16xf32>
      %parallel_loop3A_318 = arith.addf %parallel_loop3A_274, %parallel_loop3A_317 : vector<16xf32>
      %parallel_loop3A_319 = arith.index_cast %parallel_loop3A_298 : i32 to index
      %parallel_loop3A_320 = arith.constant 32 : index
      %parallel_loop3A_321 = tpu.vector_load %arg7[%parallel_loop3A_319, %parallel_loop3A_320] {strides = array<i32>} : memref<512x64xf32, #tpu.memory_space<vmem>>, vector<16xf32>,
      %parallel_loop3A_322 = arith.index_cast %parallel_loop3A_298 : i32 to index
      %parallel_loop3A_323 = arith.constant 32 : index
      %parallel_loop3A_324 = tpu.vector_load %arg8[%parallel_loop3A_322, %parallel_loop3A_323] {strides = array<i32>} : memref<512x64xf32, #tpu.memory_space<vmem>>, vector<16xf32>,
      %parallel_loop3A_325 = arith.subf %parallel_loop3A_321, %parallel_loop3A_324 : vector<16xf32>
      %parallel_loop3A_326 = math.absf %parallel_loop3A_325 : vector<16xf32>
      %parallel_loop3A_327 = arith.mulf %broadcast_in_dim3A_104, %parallel_loop3A_326 : vector<16xf32>
      %parallel_loop3A_328 = arith.addf %parallel_loop3A_284, %parallel_loop3A_327 : vector<16xf32>
      %parallel_loop3A_329 = arith.index_cast %parallel_loop3A_298 : i32 to index
      %parallel_loop3A_330 = arith.constant 48 : index
      %parallel_loop3A_331 = tpu.vector_load %arg7[%parallel_loop3A_329, %parallel_loop3A_330] {strides = array<i32>} : memref<512x64xf32, #tpu.memory_space<vmem>>, vector<16xf32>,
      %parallel_loop3A_332 = arith.index_cast %parallel_loop3A_298 : i32 to index
      %parallel_loop3A_333 = arith.constant 48 : index
      %parallel_loop3A_334 = tpu.vector_load %arg8[%parallel_loop3A_332, %parallel_loop3A_333] {strides = array<i32>} : memref<512x64xf32, #tpu.memory_space<vmem>>, vector<16xf32>,
      %parallel_loop3A_335 = arith.subf %parallel_loop3A_331, %parallel_loop3A_334 : vector<16xf32>
      %parallel_loop3A_336 = math.absf %parallel_loop3A_335 : vector<16xf32>
      %parallel_loop3A_337 = arith.mulf %select_n3A_112, %parallel_loop3A_336 : vector<16xf32>
      %parallel_loop3A_338 = arith.addf %parallel_loop3A_294, %parallel_loop3A_337 : vector<16xf32>
      %parallel_loop3A_339 = arith.constant 16 : i32
      %parallel_loop3A_340 = arith.muli %parallel_loop3A_124, %parallel_loop3A_339 : i32
      %parallel_loop3A_341 = arith.constant 4 : i32
      %parallel_loop3A_342 = arith.addi %parallel_loop3A_340, %parallel_loop3A_341 : i32
      %parallel_loop3A_343 = arith.index_cast %parallel_loop3A_342 : i32 to index
      %parallel_loop3A_344 = arith.constant 0 : index
      %parallel_loop3A_345 = tpu.vector_load %arg7[%parallel_loop3A_343, %parallel_loop3A_344] {strides = array<i32>} : memref<512x64xf32, #tpu.memory_space<vmem>>, vector<16xf32>,
      %parallel_loop3A_346 = arith.index_cast %parallel_loop3A_342 : i32 to index
      %parallel_loop3A_347 = arith.constant 0 : index
      %parallel_loop3A_348 = tpu.vector_load %arg8[%parallel_loop3A_346, %parallel_loop3A_347] {strides = array<i32>} : memref<512x64xf32, #tpu.memory_space<vmem>>, vector<16xf32>,
      %parallel_loop3A_349 = arith.subf %parallel_loop3A_345, %parallel_loop3A_348 : vector<16xf32>
      %parallel_loop3A_350 = math.absf %parallel_loop3A_349 : vector<16xf32>
      %parallel_loop3A_351 = arith.mulf %select_n3A_100, %parallel_loop3A_350 : vector<16xf32>
      %parallel_loop3A_352 = arith.addf %parallel_loop3A_308, %parallel_loop3A_351 : vector<16xf32>
      %parallel_loop3A_353 = arith.index_cast %parallel_loop3A_342 : i32 to index
      %parallel_loop3A_354 = arith.constant 16 : index
      %parallel_loop3A_355 = tpu.vector_load %arg7[%parallel_loop3A_353, %parallel_loop3A_354] {strides = array<i32>} : memref<512x64xf32, #tpu.memory_space<vmem>>, vector<16xf32>,
      %parallel_loop3A_356 = arith.index_cast %parallel_loop3A_342 : i32 to index
      %parallel_loop3A_357 = arith.constant 16 : index
      %parallel_loop3A_358 = tpu.vector_load %arg8[%parallel_loop3A_356, %parallel_loop3A_357] {strides = array<i32>} : memref<512x64xf32, #tpu.memory_space<vmem>>, vector<16xf32>,
      %parallel_loop3A_359 = arith.subf %parallel_loop3A_355, %parallel_loop3A_358 : vector<16xf32>
      %parallel_loop3A_360 = math.absf %parallel_loop3A_359 : vector<16xf32>
      %parallel_loop3A_361 = arith.mulf %broadcast_in_dim3A_102, %parallel_loop3A_360 : vector<16xf32>
      %parallel_loop3A_362 = arith.addf %parallel_loop3A_318, %parallel_loop3A_361 : vector<16xf32>
      %parallel_loop3A_363 = arith.index_cast %parallel_loop3A_342 : i32 to index
      %parallel_loop3A_364 = arith.constant 32 : index
      %parallel_loop3A_365 = tpu.vector_load %arg7[%parallel_loop3A_363, %parallel_loop3A_364] {strides = array<i32>} : memref<512x64xf32, #tpu.memory_space<vmem>>, vector<16xf32>,
      %parallel_loop3A_366 = arith.index_cast %parallel_loop3A_342 : i32 to index
      %parallel_loop3A_367 = arith.constant 32 : index
      %parallel_loop3A_368 = tpu.vector_load %arg8[%parallel_loop3A_366, %parallel_loop3A_367] {strides = array<i32>} : memref<512x64xf32, #tpu.memory_space<vmem>>, vector<16xf32>,
      %parallel_loop3A_369 = arith.subf %parallel_loop3A_365, %parallel_loop3A_368 : vector<16xf32>
      %parallel_loop3A_370 = math.absf %parallel_loop3A_369 : vector<16xf32>
      %parallel_loop3A_371 = arith.mulf %broadcast_in_dim3A_104, %parallel_loop3A_370 : vector<16xf32>
      %parallel_loop3A_372 = arith.addf %parallel_loop3A_328, %parallel_loop3A_371 : vector<16xf32>
      %parallel_loop3A_373 = arith.index_cast %parallel_loop3A_342 : i32 to index
      %parallel_loop3A_374 = arith.constant 48 : index
      %parallel_loop3A_375 = tpu.vector_load %arg7[%parallel_loop3A_373, %parallel_loop3A_374] {strides = array<i32>} : memref<512x64xf32, #tpu.memory_space<vmem>>, vector<16xf32>,
      %parallel_loop3A_376 = arith.index_cast %parallel_loop3A_342 : i32 to index
      %parallel_loop3A_377 = arith.constant 48 : index
      %parallel_loop3A_378 = tpu.vector_load %arg8[%parallel_loop3A_376, %parallel_loop3A_377] {strides = array<i32>} : memref<512x64xf32, #tpu.memory_space<vmem>>, vector<16xf32>,
      %parallel_loop3A_379 = arith.subf %parallel_loop3A_375, %parallel_loop3A_378 : vector<16xf32>
      %parallel_loop3A_380 = math.absf %parallel_loop3A_379 : vector<16xf32>
      %parallel_loop3A_381 = arith.mulf %select_n3A_112, %parallel_loop3A_380 : vector<16xf32>
      %parallel_loop3A_382 = arith.addf %parallel_loop3A_338, %parallel_loop3A_381 : vector<16xf32>
      %parallel_loop3A_383 = arith.constant 16 : i32
      %parallel_loop3A_384 = arith.muli %parallel_loop3A_124, %parallel_loop3A_383 : i32
      %parallel_loop3A_385 = arith.constant 5 : i32
      %parallel_loop3A_386 = arith.addi %parallel_loop3A_384, %parallel_loop3A_385 : i32
      %parallel_loop3A_387 = arith.index_cast %parallel_loop3A_386 : i32 to index
      %parallel_loop3A_388 = arith.constant 0 : index
      %parallel_loop3A_389 = tpu.vector_load %arg7[%parallel_loop3A_387, %parallel_loop3A_388] {strides = array<i32>} : memref<512x64xf32, #tpu.memory_space<vmem>>, vector<16xf32>,
      %parallel_loop3A_390 = arith.index_cast %parallel_loop3A_386 : i32 to index
      %parallel_loop3A_391 = arith.constant 0 : index
      %parallel_loop3A_392 = tpu.vector_load %arg8[%parallel_loop3A_390, %parallel_loop3A_391] {strides = array<i32>} : memref<512x64xf32, #tpu.memory_space<vmem>>, vector<16xf32>,
      %parallel_loop3A_393 = arith.subf %parallel_loop3A_389, %parallel_loop3A_392 : vector<16xf32>
      %parallel_loop3A_394 = math.absf %parallel_loop3A_393 : vector<16xf32>
      %parallel_loop3A_395 = arith.mulf %select_n3A_100, %parallel_loop3A_394 : vector<16xf32>
      %parallel_loop3A_396 = arith.addf %parallel_loop3A_352, %parallel_loop3A_395 : vector<16xf32>
      %parallel_loop3A_397 = arith.index_cast %parallel_loop3A_386 : i32 to index
      %parallel_loop3A_398 = arith.constant 16 : index
      %parallel_loop3A_399 = tpu.vector_load %arg7[%parallel_loop3A_397, %parallel_loop3A_398] {strides = array<i32>} : memref<512x64xf32, #tpu.memory_space<vmem>>, vector<16xf32>,
      %parallel_loop3A_400 = arith.index_cast %parallel_loop3A_386 : i32 to index
      %parallel_loop3A_401 = arith.constant 16 : index
      %parallel_loop3A_402 = tpu.vector_load %arg8[%parallel_loop3A_400, %parallel_loop3A_401] {strides = array<i32>} : memref<512x64xf32, #tpu.memory_space<vmem>>, vector<16xf32>,
      %parallel_loop3A_403 = arith.subf %parallel_loop3A_399, %parallel_loop3A_402 : vector<16xf32>
      %parallel_loop3A_404 = math.absf %parallel_loop3A_403 : vector<16xf32>
      %parallel_loop3A_405 = arith.mulf %broadcast_in_dim3A_102, %parallel_loop3A_404 : vector<16xf32>
      %parallel_loop3A_406 = arith.addf %parallel_loop3A_362, %parallel_loop3A_405 : vector<16xf32>
      %parallel_loop3A_407 = arith.index_cast %parallel_loop3A_386 : i32 to index
      %parallel_loop3A_408 = arith.constant 32 : index
      %parallel_loop3A_409 = tpu.vector_load %arg7[%parallel_loop3A_407, %parallel_loop3A_408] {strides = array<i32>} : memref<512x64xf32, #tpu.memory_space<vmem>>, vector<16xf32>,
      %parallel_loop3A_410 = arith.index_cast %parallel_loop3A_386 : i32 to index
      %parallel_loop3A_411 = arith.constant 32 : index
      %parallel_loop3A_412 = tpu.vector_load %arg8[%parallel_loop3A_410, %parallel_loop3A_411] {strides = array<i32>} : memref<512x64xf32, #tpu.memory_space<vmem>>, vector<16xf32>,
      %parallel_loop3A_413 = arith.subf %parallel_loop3A_409, %parallel_loop3A_412 : vector<16xf32>
      %parallel_loop3A_414 = math.absf %parallel_loop3A_413 : vector<16xf32>
      %parallel_loop3A_415 = arith.mulf %broadcast_in_dim3A_104, %parallel_loop3A_414 : vector<16xf32>
      %parallel_loop3A_416 = arith.addf %parallel_loop3A_372, %parallel_loop3A_415 : vector<16xf32>
      %parallel_loop3A_417 = arith.index_cast %parallel_loop3A_386 : i32 to index
      %parallel_loop3A_418 = arith.constant 48 : index
      %parallel_loop3A_419 = tpu.vector_load %arg7[%parallel_loop3A_417, %parallel_loop3A_418] {strides = array<i32>} : memref<512x64xf32, #tpu.memory_space<vmem>>, vector<16xf32>,
      %parallel_loop3A_420 = arith.index_cast %parallel_loop3A_386 : i32 to index
      %parallel_loop3A_421 = arith.constant 48 : index
      %parallel_loop3A_422 = tpu.vector_load %arg8[%parallel_loop3A_420, %parallel_loop3A_421] {strides = array<i32>} : memref<512x64xf32, #tpu.memory_space<vmem>>, vector<16xf32>,
      %parallel_loop3A_423 = arith.subf %parallel_loop3A_419, %parallel_loop3A_422 : vector<16xf32>
      %parallel_loop3A_424 = math.absf %parallel_loop3A_423 : vector<16xf32>
      %parallel_loop3A_425 = arith.mulf %select_n3A_112, %parallel_loop3A_424 : vector<16xf32>
      %parallel_loop3A_426 = arith.addf %parallel_loop3A_382, %parallel_loop3A_425 : vector<16xf32>
      %parallel_loop3A_427 = arith.constant 16 : i32
      %parallel_loop3A_428 = arith.muli %parallel_loop3A_124, %parallel_loop3A_427 : i32
      %parallel_loop3A_429 = arith.constant 6 : i32
      %parallel_loop3A_430 = arith.addi %parallel_loop3A_428, %parallel_loop3A_429 : i32
      %parallel_loop3A_431 = arith.index_cast %parallel_loop3A_430 : i32 to index
      %parallel_loop3A_432 = arith.constant 0 : index
      %parallel_loop3A_433 = tpu.vector_load %arg7[%parallel_loop3A_431, %parallel_loop3A_432] {strides = array<i32>} : memref<512x64xf32, #tpu.memory_space<vmem>>, vector<16xf32>,
      %parallel_loop3A_434 = arith.index_cast %parallel_loop3A_430 : i32 to index
      %parallel_loop3A_435 = arith.constant 0 : index
      %parallel_loop3A_436 = tpu.vector_load %arg8[%parallel_loop3A_434, %parallel_loop3A_435] {strides = array<i32>} : memref<512x64xf32, #tpu.memory_space<vmem>>, vector<16xf32>,
      %parallel_loop3A_437 = arith.subf %parallel_loop3A_433, %parallel_loop3A_436 : vector<16xf32>
      %parallel_loop3A_438 = math.absf %parallel_loop3A_437 : vector<16xf32>
      %parallel_loop3A_439 = arith.mulf %select_n3A_100, %parallel_loop3A_438 : vector<16xf32>
      %parallel_loop3A_440 = arith.addf %parallel_loop3A_396, %parallel_loop3A_439 : vector<16xf32>
      %parallel_loop3A_441 = arith.index_cast %parallel_loop3A_430 : i32 to index
      %parallel_loop3A_442 = arith.constant 16 : index
      %parallel_loop3A_443 = tpu.vector_load %arg7[%parallel_loop3A_441, %parallel_loop3A_442] {strides = array<i32>} : memref<512x64xf32, #tpu.memory_space<vmem>>, vector<16xf32>,
      %parallel_loop3A_444 = arith.index_cast %parallel_loop3A_430 : i32 to index
      %parallel_loop3A_445 = arith.constant 16 : index
      %parallel_loop3A_446 = tpu.vector_load %arg8[%parallel_loop3A_444, %parallel_loop3A_445] {strides = array<i32>} : memref<512x64xf32, #tpu.memory_space<vmem>>, vector<16xf32>,
      %parallel_loop3A_447 = arith.subf %parallel_loop3A_443, %parallel_loop3A_446 : vector<16xf32>
      %parallel_loop3A_448 = math.absf %parallel_loop3A_447 : vector<16xf32>
      %parallel_loop3A_449 = arith.mulf %broadcast_in_dim3A_102, %parallel_loop3A_448 : vector<16xf32>
      %parallel_loop3A_450 = arith.addf %parallel_loop3A_406, %parallel_loop3A_449 : vector<16xf32>
      %parallel_loop3A_451 = arith.index_cast %parallel_loop3A_430 : i32 to index
      %parallel_loop3A_452 = arith.constant 32 : index
      %parallel_loop3A_453 = tpu.vector_load %arg7[%parallel_loop3A_451, %parallel_loop3A_452] {strides = array<i32>} : memref<512x64xf32, #tpu.memory_space<vmem>>, vector<16xf32>,
      %parallel_loop3A_454 = arith.index_cast %parallel_loop3A_430 : i32 to index
      %parallel_loop3A_455 = arith.constant 32 : index
      %parallel_loop3A_456 = tpu.vector_load %arg8[%parallel_loop3A_454, %parallel_loop3A_455] {strides = array<i32>} : memref<512x64xf32, #tpu.memory_space<vmem>>, vector<16xf32>,
      %parallel_loop3A_457 = arith.subf %parallel_loop3A_453, %parallel_loop3A_456 : vector<16xf32>
      %parallel_loop3A_458 = math.absf %parallel_loop3A_457 : vector<16xf32>
      %parallel_loop3A_459 = arith.mulf %broadcast_in_dim3A_104, %parallel_loop3A_458 : vector<16xf32>
      %parallel_loop3A_460 = arith.addf %parallel_loop3A_416, %parallel_loop3A_459 : vector<16xf32>
      %parallel_loop3A_461 = arith.index_cast %parallel_loop3A_430 : i32 to index
      %parallel_loop3A_462 = arith.constant 48 : index
      %parallel_loop3A_463 = tpu.vector_load %arg7[%parallel_loop3A_461, %parallel_loop3A_462] {strides = array<i32>} : memref<512x64xf32, #tpu.memory_space<vmem>>, vector<16xf32>,
      %parallel_loop3A_464 = arith.index_cast %parallel_loop3A_430 : i32 to index
      %parallel_loop3A_465 = arith.constant 48 : index
      %parallel_loop3A_466 = tpu.vector_load %arg8[%parallel_loop3A_464, %parallel_loop3A_465] {strides = array<i32>} : memref<512x64xf32, #tpu.memory_space<vmem>>, vector<16xf32>,
      %parallel_loop3A_467 = arith.subf %parallel_loop3A_463, %parallel_loop3A_466 : vector<16xf32>
      %parallel_loop3A_468 = math.absf %parallel_loop3A_467 : vector<16xf32>
      %parallel_loop3A_469 = arith.mulf %select_n3A_112, %parallel_loop3A_468 : vector<16xf32>
      %parallel_loop3A_470 = arith.addf %parallel_loop3A_426, %parallel_loop3A_469 : vector<16xf32>
      %parallel_loop3A_471 = arith.constant 16 : i32
      %parallel_loop3A_472 = arith.muli %parallel_loop3A_124, %parallel_loop3A_471 : i32
      %parallel_loop3A_473 = arith.constant 7 : i32
      %parallel_loop3A_474 = arith.addi %parallel_loop3A_472, %parallel_loop3A_473 : i32
      %parallel_loop3A_475 = arith.index_cast %parallel_loop3A_474 : i32 to index
      %parallel_loop3A_476 = arith.constant 0 : index
      %parallel_loop3A_477 = tpu.vector_load %arg7[%parallel_loop3A_475, %parallel_loop3A_476] {strides = array<i32>} : memref<512x64xf32, #tpu.memory_space<vmem>>, vector<16xf32>,
      %parallel_loop3A_478 = arith.index_cast %parallel_loop3A_474 : i32 to index
      %parallel_loop3A_479 = arith.constant 0 : index
      %parallel_loop3A_480 = tpu.vector_load %arg8[%parallel_loop3A_478, %parallel_loop3A_479] {strides = array<i32>} : memref<512x64xf32, #tpu.memory_space<vmem>>, vector<16xf32>,
      %parallel_loop3A_481 = arith.subf %parallel_loop3A_477, %parallel_loop3A_480 : vector<16xf32>
      %parallel_loop3A_482 = math.absf %parallel_loop3A_481 : vector<16xf32>
      %parallel_loop3A_483 = arith.mulf %select_n3A_100, %parallel_loop3A_482 : vector<16xf32>
      %parallel_loop3A_484 = arith.addf %parallel_loop3A_440, %parallel_loop3A_483 : vector<16xf32>
      %parallel_loop3A_485 = arith.index_cast %parallel_loop3A_474 : i32 to index
      %parallel_loop3A_486 = arith.constant 16 : index
      %parallel_loop3A_487 = tpu.vector_load %arg7[%parallel_loop3A_485, %parallel_loop3A_486] {strides = array<i32>} : memref<512x64xf32, #tpu.memory_space<vmem>>, vector<16xf32>,
      %parallel_loop3A_488 = arith.index_cast %parallel_loop3A_474 : i32 to index
      %parallel_loop3A_489 = arith.constant 16 : index
      %parallel_loop3A_490 = tpu.vector_load %arg8[%parallel_loop3A_488, %parallel_loop3A_489] {strides = array<i32>} : memref<512x64xf32, #tpu.memory_space<vmem>>, vector<16xf32>,
      %parallel_loop3A_491 = arith.subf %parallel_loop3A_487, %parallel_loop3A_490 : vector<16xf32>
      %parallel_loop3A_492 = math.absf %parallel_loop3A_491 : vector<16xf32>
      %parallel_loop3A_493 = arith.mulf %broadcast_in_dim3A_102, %parallel_loop3A_492 : vector<16xf32>
      %parallel_loop3A_494 = arith.addf %parallel_loop3A_450, %parallel_loop3A_493 : vector<16xf32>
      %parallel_loop3A_495 = arith.index_cast %parallel_loop3A_474 : i32 to index
      %parallel_loop3A_496 = arith.constant 32 : index
      %parallel_loop3A_497 = tpu.vector_load %arg7[%parallel_loop3A_495, %parallel_loop3A_496] {strides = array<i32>} : memref<512x64xf32, #tpu.memory_space<vmem>>, vector<16xf32>,
      %parallel_loop3A_498 = arith.index_cast %parallel_loop3A_474 : i32 to index
      %parallel_loop3A_499 = arith.constant 32 : index
      %parallel_loop3A_500 = tpu.vector_load %arg8[%parallel_loop3A_498, %parallel_loop3A_499] {strides = array<i32>} : memref<512x64xf32, #tpu.memory_space<vmem>>, vector<16xf32>,
      %parallel_loop3A_501 = arith.subf %parallel_loop3A_497, %parallel_loop3A_500 : vector<16xf32>
      %parallel_loop3A_502 = math.absf %parallel_loop3A_501 : vector<16xf32>
      %parallel_loop3A_503 = arith.mulf %broadcast_in_dim3A_104, %parallel_loop3A_502 : vector<16xf32>
      %parallel_loop3A_504 = arith.addf %parallel_loop3A_460, %parallel_loop3A_503 : vector<16xf32>
      %parallel_loop3A_505 = arith.index_cast %parallel_loop3A_474 : i32 to index
      %parallel_loop3A_506 = arith.constant 48 : index
      %parallel_loop3A_507 = tpu.vector_load %arg7[%parallel_loop3A_505, %parallel_loop3A_506] {strides = array<i32>} : memref<512x64xf32, #tpu.memory_space<vmem>>, vector<16xf32>,
      %parallel_loop3A_508 = arith.index_cast %parallel_loop3A_474 : i32 to index
      %parallel_loop3A_509 = arith.constant 48 : index
      %parallel_loop3A_510 = tpu.vector_load %arg8[%parallel_loop3A_508, %parallel_loop3A_509] {strides = array<i32>} : memref<512x64xf32, #tpu.memory_space<vmem>>, vector<16xf32>,
      %parallel_loop3A_511 = arith.subf %parallel_loop3A_507, %parallel_loop3A_510 : vector<16xf32>
      %parallel_loop3A_512 = math.absf %parallel_loop3A_511 : vector<16xf32>
      %parallel_loop3A_513 = arith.mulf %select_n3A_112, %parallel_loop3A_512 : vector<16xf32>
      %parallel_loop3A_514 = arith.addf %parallel_loop3A_470, %parallel_loop3A_513 : vector<16xf32>
      %parallel_loop3A_515 = arith.constant 16 : i32
      %parallel_loop3A_516 = arith.muli %parallel_loop3A_124, %parallel_loop3A_515 : i32
      %parallel_loop3A_517 = arith.constant 8 : i32
      %parallel_loop3A_518 = arith.addi %parallel_loop3A_516, %parallel_loop3A_517 : i32
      %parallel_loop3A_519 = arith.index_cast %parallel_loop3A_518 : i32 to index
      %parallel_loop3A_520 = arith.constant 0 : index
      %parallel_loop3A_521 = tpu.vector_load %arg7[%parallel_loop3A_519, %parallel_loop3A_520] {strides = array<i32>} : memref<512x64xf32, #tpu.memory_space<vmem>>, vector<16xf32>,
      %parallel_loop3A_522 = arith.index_cast %parallel_loop3A_518 : i32 to index
      %parallel_loop3A_523 = arith.constant 0 : index
      %parallel_loop3A_524 = tpu.vector_load %arg8[%parallel_loop3A_522, %parallel_loop3A_523] {strides = array<i32>} : memref<512x64xf32, #tpu.memory_space<vmem>>, vector<16xf32>,
      %parallel_loop3A_525 = arith.subf %parallel_loop3A_521, %parallel_loop3A_524 : vector<16xf32>
      %parallel_loop3A_526 = math.absf %parallel_loop3A_525 : vector<16xf32>
      %parallel_loop3A_527 = arith.mulf %select_n3A_100, %parallel_loop3A_526 : vector<16xf32>
      %parallel_loop3A_528 = arith.addf %parallel_loop3A_484, %parallel_loop3A_527 : vector<16xf32>
      %parallel_loop3A_529 = arith.index_cast %parallel_loop3A_518 : i32 to index
      %parallel_loop3A_530 = arith.constant 16 : index
      %parallel_loop3A_531 = tpu.vector_load %arg7[%parallel_loop3A_529, %parallel_loop3A_530] {strides = array<i32>} : memref<512x64xf32, #tpu.memory_space<vmem>>, vector<16xf32>,
      %parallel_loop3A_532 = arith.index_cast %parallel_loop3A_518 : i32 to index
      %parallel_loop3A_533 = arith.constant 16 : index
      %parallel_loop3A_534 = tpu.vector_load %arg8[%parallel_loop3A_532, %parallel_loop3A_533] {strides = array<i32>} : memref<512x64xf32, #tpu.memory_space<vmem>>, vector<16xf32>,
      %parallel_loop3A_535 = arith.subf %parallel_loop3A_531, %parallel_loop3A_534 : vector<16xf32>
      %parallel_loop3A_536 = math.absf %parallel_loop3A_535 : vector<16xf32>
      %parallel_loop3A_537 = arith.mulf %broadcast_in_dim3A_102, %parallel_loop3A_536 : vector<16xf32>
      %parallel_loop3A_538 = arith.addf %parallel_loop3A_494, %parallel_loop3A_537 : vector<16xf32>
      %parallel_loop3A_539 = arith.index_cast %parallel_loop3A_518 : i32 to index
      %parallel_loop3A_540 = arith.constant 32 : index
      %parallel_loop3A_541 = tpu.vector_load %arg7[%parallel_loop3A_539, %parallel_loop3A_540] {strides = array<i32>} : memref<512x64xf32, #tpu.memory_space<vmem>>, vector<16xf32>,
      %parallel_loop3A_542 = arith.index_cast %parallel_loop3A_518 : i32 to index
      %parallel_loop3A_543 = arith.constant 32 : index
      %parallel_loop3A_544 = tpu.vector_load %arg8[%parallel_loop3A_542, %parallel_loop3A_543] {strides = array<i32>} : memref<512x64xf32, #tpu.memory_space<vmem>>, vector<16xf32>,
      %parallel_loop3A_545 = arith.subf %parallel_loop3A_541, %parallel_loop3A_544 : vector<16xf32>
      %parallel_loop3A_546 = math.absf %parallel_loop3A_545 : vector<16xf32>
      %parallel_loop3A_547 = arith.mulf %broadcast_in_dim3A_104, %parallel_loop3A_546 : vector<16xf32>
      %parallel_loop3A_548 = arith.addf %parallel_loop3A_504, %parallel_loop3A_547 : vector<16xf32>
      %parallel_loop3A_549 = arith.index_cast %parallel_loop3A_518 : i32 to index
      %parallel_loop3A_550 = arith.constant 48 : index
      %parallel_loop3A_551 = tpu.vector_load %arg7[%parallel_loop3A_549, %parallel_loop3A_550] {strides = array<i32>} : memref<512x64xf32, #tpu.memory_space<vmem>>, vector<16xf32>,
      %parallel_loop3A_552 = arith.index_cast %parallel_loop3A_518 : i32 to index
      %parallel_loop3A_553 = arith.constant 48 : index
      %parallel_loop3A_554 = tpu.vector_load %arg8[%parallel_loop3A_552, %parallel_loop3A_553] {strides = array<i32>} : memref<512x64xf32, #tpu.memory_space<vmem>>, vector<16xf32>,
      %parallel_loop3A_555 = arith.subf %parallel_loop3A_551, %parallel_loop3A_554 : vector<16xf32>
      %parallel_loop3A_556 = math.absf %parallel_loop3A_555 : vector<16xf32>
      %parallel_loop3A_557 = arith.mulf %select_n3A_112, %parallel_loop3A_556 : vector<16xf32>
      %parallel_loop3A_558 = arith.addf %parallel_loop3A_514, %parallel_loop3A_557 : vector<16xf32>
      %parallel_loop3A_559 = arith.constant 16 : i32
      %parallel_loop3A_560 = arith.muli %parallel_loop3A_124, %parallel_loop3A_559 : i32
      %parallel_loop3A_561 = arith.constant 9 : i32
      %parallel_loop3A_562 = arith.addi %parallel_loop3A_560, %parallel_loop3A_561 : i32
      %parallel_loop3A_563 = arith.index_cast %parallel_loop3A_562 : i32 to index
      %parallel_loop3A_564 = arith.constant 0 : index
      %parallel_loop3A_565 = tpu.vector_load %arg7[%parallel_loop3A_563, %parallel_loop3A_564] {strides = array<i32>} : memref<512x64xf32, #tpu.memory_space<vmem>>, vector<16xf32>,
      %parallel_loop3A_566 = arith.index_cast %parallel_loop3A_562 : i32 to index
      %parallel_loop3A_567 = arith.constant 0 : index
      %parallel_loop3A_568 = tpu.vector_load %arg8[%parallel_loop3A_566, %parallel_loop3A_567] {strides = array<i32>} : memref<512x64xf32, #tpu.memory_space<vmem>>, vector<16xf32>,
      %parallel_loop3A_569 = arith.subf %parallel_loop3A_565, %parallel_loop3A_568 : vector<16xf32>
      %parallel_loop3A_570 = math.absf %parallel_loop3A_569 : vector<16xf32>
      %parallel_loop3A_571 = arith.mulf %select_n3A_100, %parallel_loop3A_570 : vector<16xf32>
      %parallel_loop3A_572 = arith.addf %parallel_loop3A_528, %parallel_loop3A_571 : vector<16xf32>
      %parallel_loop3A_573 = arith.index_cast %parallel_loop3A_562 : i32 to index
      %parallel_loop3A_574 = arith.constant 16 : index
      %parallel_loop3A_575 = tpu.vector_load %arg7[%parallel_loop3A_573, %parallel_loop3A_574] {strides = array<i32>} : memref<512x64xf32, #tpu.memory_space<vmem>>, vector<16xf32>,
      %parallel_loop3A_576 = arith.index_cast %parallel_loop3A_562 : i32 to index
      %parallel_loop3A_577 = arith.constant 16 : index
      %parallel_loop3A_578 = tpu.vector_load %arg8[%parallel_loop3A_576, %parallel_loop3A_577] {strides = array<i32>} : memref<512x64xf32, #tpu.memory_space<vmem>>, vector<16xf32>,
      %parallel_loop3A_579 = arith.subf %parallel_loop3A_575, %parallel_loop3A_578 : vector<16xf32>
      %parallel_loop3A_580 = math.absf %parallel_loop3A_579 : vector<16xf32>
      %parallel_loop3A_581 = arith.mulf %broadcast_in_dim3A_102, %parallel_loop3A_580 : vector<16xf32>
      %parallel_loop3A_582 = arith.addf %parallel_loop3A_538, %parallel_loop3A_581 : vector<16xf32>
      %parallel_loop3A_583 = arith.index_cast %parallel_loop3A_562 : i32 to index
      %parallel_loop3A_584 = arith.constant 32 : index
      %parallel_loop3A_585 = tpu.vector_load %arg7[%parallel_loop3A_583, %parallel_loop3A_584] {strides = array<i32>} : memref<512x64xf32, #tpu.memory_space<vmem>>, vector<16xf32>,
      %parallel_loop3A_586 = arith.index_cast %parallel_loop3A_562 : i32 to index
      %parallel_loop3A_587 = arith.constant 32 : index
      %parallel_loop3A_588 = tpu.vector_load %arg8[%parallel_loop3A_586, %parallel_loop3A_587] {strides = array<i32>} : memref<512x64xf32, #tpu.memory_space<vmem>>, vector<16xf32>,
      %parallel_loop3A_589 = arith.subf %parallel_loop3A_585, %parallel_loop3A_588 : vector<16xf32>
      %parallel_loop3A_590 = math.absf %parallel_loop3A_589 : vector<16xf32>
      %parallel_loop3A_591 = arith.mulf %broadcast_in_dim3A_104, %parallel_loop3A_590 : vector<16xf32>
      %parallel_loop3A_592 = arith.addf %parallel_loop3A_548, %parallel_loop3A_591 : vector<16xf32>
      %parallel_loop3A_593 = arith.index_cast %parallel_loop3A_562 : i32 to index
      %parallel_loop3A_594 = arith.constant 48 : index
      %parallel_loop3A_595 = tpu.vector_load %arg7[%parallel_loop3A_593, %parallel_loop3A_594] {strides = array<i32>} : memref<512x64xf32, #tpu.memory_space<vmem>>, vector<16xf32>,
      %parallel_loop3A_596 = arith.index_cast %parallel_loop3A_562 : i32 to index
      %parallel_loop3A_597 = arith.constant 48 : index
      %parallel_loop3A_598 = tpu.vector_load %arg8[%parallel_loop3A_596, %parallel_loop3A_597] {strides = array<i32>} : memref<512x64xf32, #tpu.memory_space<vmem>>, vector<16xf32>,
      %parallel_loop3A_599 = arith.subf %parallel_loop3A_595, %parallel_loop3A_598 : vector<16xf32>
      %parallel_loop3A_600 = math.absf %parallel_loop3A_599 : vector<16xf32>
      %parallel_loop3A_601 = arith.mulf %select_n3A_112, %parallel_loop3A_600 : vector<16xf32>
      %parallel_loop3A_602 = arith.addf %parallel_loop3A_558, %parallel_loop3A_601 : vector<16xf32>
      %parallel_loop3A_603 = arith.constant 16 : i32
      %parallel_loop3A_604 = arith.muli %parallel_loop3A_124, %parallel_loop3A_603 : i32
      %parallel_loop3A_605 = arith.constant 10 : i32
      %parallel_loop3A_606 = arith.addi %parallel_loop3A_604, %parallel_loop3A_605 : i32
      %parallel_loop3A_607 = arith.index_cast %parallel_loop3A_606 : i32 to index
      %parallel_loop3A_608 = arith.constant 0 : index
      %parallel_loop3A_609 = tpu.vector_load %arg7[%parallel_loop3A_607, %parallel_loop3A_608] {strides = array<i32>} : memref<512x64xf32, #tpu.memory_space<vmem>>, vector<16xf32>,
      %parallel_loop3A_610 = arith.index_cast %parallel_loop3A_606 : i32 to index
      %parallel_loop3A_611 = arith.constant 0 : index
      %parallel_loop3A_612 = tpu.vector_load %arg8[%parallel_loop3A_610, %parallel_loop3A_611] {strides = array<i32>} : memref<512x64xf32, #tpu.memory_space<vmem>>, vector<16xf32>,
      %parallel_loop3A_613 = arith.subf %parallel_loop3A_609, %parallel_loop3A_612 : vector<16xf32>
      %parallel_loop3A_614 = math.absf %parallel_loop3A_613 : vector<16xf32>
      %parallel_loop3A_615 = arith.mulf %select_n3A_100, %parallel_loop3A_614 : vector<16xf32>
      %parallel_loop3A_616 = arith.addf %parallel_loop3A_572, %parallel_loop3A_615 : vector<16xf32>
      %parallel_loop3A_617 = arith.index_cast %parallel_loop3A_606 : i32 to index
      %parallel_loop3A_618 = arith.constant 16 : index
      %parallel_loop3A_619 = tpu.vector_load %arg7[%parallel_loop3A_617, %parallel_loop3A_618] {strides = array<i32>} : memref<512x64xf32, #tpu.memory_space<vmem>>, vector<16xf32>,
      %parallel_loop3A_620 = arith.index_cast %parallel_loop3A_606 : i32 to index
      %parallel_loop3A_621 = arith.constant 16 : index
      %parallel_loop3A_622 = tpu.vector_load %arg8[%parallel_loop3A_620, %parallel_loop3A_621] {strides = array<i32>} : memref<512x64xf32, #tpu.memory_space<vmem>>, vector<16xf32>,
      %parallel_loop3A_623 = arith.subf %parallel_loop3A_619, %parallel_loop3A_622 : vector<16xf32>
      %parallel_loop3A_624 = math.absf %parallel_loop3A_623 : vector<16xf32>
      %parallel_loop3A_625 = arith.mulf %broadcast_in_dim3A_102, %parallel_loop3A_624 : vector<16xf32>
      %parallel_loop3A_626 = arith.addf %parallel_loop3A_582, %parallel_loop3A_625 : vector<16xf32>
      %parallel_loop3A_627 = arith.index_cast %parallel_loop3A_606 : i32 to index
      %parallel_loop3A_628 = arith.constant 32 : index
      %parallel_loop3A_629 = tpu.vector_load %arg7[%parallel_loop3A_627, %parallel_loop3A_628] {strides = array<i32>} : memref<512x64xf32, #tpu.memory_space<vmem>>, vector<16xf32>,
      %parallel_loop3A_630 = arith.index_cast %parallel_loop3A_606 : i32 to index
      %parallel_loop3A_631 = arith.constant 32 : index
      %parallel_loop3A_632 = tpu.vector_load %arg8[%parallel_loop3A_630, %parallel_loop3A_631] {strides = array<i32>} : memref<512x64xf32, #tpu.memory_space<vmem>>, vector<16xf32>,
      %parallel_loop3A_633 = arith.subf %parallel_loop3A_629, %parallel_loop3A_632 : vector<16xf32>
      %parallel_loop3A_634 = math.absf %parallel_loop3A_633 : vector<16xf32>
      %parallel_loop3A_635 = arith.mulf %broadcast_in_dim3A_104, %parallel_loop3A_634 : vector<16xf32>
      %parallel_loop3A_636 = arith.addf %parallel_loop3A_592, %parallel_loop3A_635 : vector<16xf32>
      %parallel_loop3A_637 = arith.index_cast %parallel_loop3A_606 : i32 to index
      %parallel_loop3A_638 = arith.constant 48 : index
      %parallel_loop3A_639 = tpu.vector_load %arg7[%parallel_loop3A_637, %parallel_loop3A_638] {strides = array<i32>} : memref<512x64xf32, #tpu.memory_space<vmem>>, vector<16xf32>,
      %parallel_loop3A_640 = arith.index_cast %parallel_loop3A_606 : i32 to index
      %parallel_loop3A_641 = arith.constant 48 : index
      %parallel_loop3A_642 = tpu.vector_load %arg8[%parallel_loop3A_640, %parallel_loop3A_641] {strides = array<i32>} : memref<512x64xf32, #tpu.memory_space<vmem>>, vector<16xf32>,
      %parallel_loop3A_643 = arith.subf %parallel_loop3A_639, %parallel_loop3A_642 : vector<16xf32>
      %parallel_loop3A_644 = math.absf %parallel_loop3A_643 : vector<16xf32>
      %parallel_loop3A_645 = arith.mulf %select_n3A_112, %parallel_loop3A_644 : vector<16xf32>
      %parallel_loop3A_646 = arith.addf %parallel_loop3A_602, %parallel_loop3A_645 : vector<16xf32>
      %parallel_loop3A_647 = arith.constant 16 : i32
      %parallel_loop3A_648 = arith.muli %parallel_loop3A_124, %parallel_loop3A_647 : i32
      %parallel_loop3A_649 = arith.constant 11 : i32
      %parallel_loop3A_650 = arith.addi %parallel_loop3A_648, %parallel_loop3A_649 : i32
      %parallel_loop3A_651 = arith.index_cast %parallel_loop3A_650 : i32 to index
      %parallel_loop3A_652 = arith.constant 0 : index
      %parallel_loop3A_653 = tpu.vector_load %arg7[%parallel_loop3A_651, %parallel_loop3A_652] {strides = array<i32>} : memref<512x64xf32, #tpu.memory_space<vmem>>, vector<16xf32>,
      %parallel_loop3A_654 = arith.index_cast %parallel_loop3A_650 : i32 to index
      %parallel_loop3A_655 = arith.constant 0 : index
      %parallel_loop3A_656 = tpu.vector_load %arg8[%parallel_loop3A_654, %parallel_loop3A_655] {strides = array<i32>} : memref<512x64xf32, #tpu.memory_space<vmem>>, vector<16xf32>,
      %parallel_loop3A_657 = arith.subf %parallel_loop3A_653, %parallel_loop3A_656 : vector<16xf32>
      %parallel_loop3A_658 = math.absf %parallel_loop3A_657 : vector<16xf32>
      %parallel_loop3A_659 = arith.mulf %select_n3A_100, %parallel_loop3A_658 : vector<16xf32>
      %parallel_loop3A_660 = arith.addf %parallel_loop3A_616, %parallel_loop3A_659 : vector<16xf32>
      %parallel_loop3A_661 = arith.index_cast %parallel_loop3A_650 : i32 to index
      %parallel_loop3A_662 = arith.constant 16 : index
      %parallel_loop3A_663 = tpu.vector_load %arg7[%parallel_loop3A_661, %parallel_loop3A_662] {strides = array<i32>} : memref<512x64xf32, #tpu.memory_space<vmem>>, vector<16xf32>,
      %parallel_loop3A_664 = arith.index_cast %parallel_loop3A_650 : i32 to index
      %parallel_loop3A_665 = arith.constant 16 : index
      %parallel_loop3A_666 = tpu.vector_load %arg8[%parallel_loop3A_664, %parallel_loop3A_665] {strides = array<i32>} : memref<512x64xf32, #tpu.memory_space<vmem>>, vector<16xf32>,
      %parallel_loop3A_667 = arith.subf %parallel_loop3A_663, %parallel_loop3A_666 : vector<16xf32>
      %parallel_loop3A_668 = math.absf %parallel_loop3A_667 : vector<16xf32>
      %parallel_loop3A_669 = arith.mulf %broadcast_in_dim3A_102, %parallel_loop3A_668 : vector<16xf32>
      %parallel_loop3A_670 = arith.addf %parallel_loop3A_626, %parallel_loop3A_669 : vector<16xf32>
      %parallel_loop3A_671 = arith.index_cast %parallel_loop3A_650 : i32 to index
      %parallel_loop3A_672 = arith.constant 32 : index
      %parallel_loop3A_673 = tpu.vector_load %arg7[%parallel_loop3A_671, %parallel_loop3A_672] {strides = array<i32>} : memref<512x64xf32, #tpu.memory_space<vmem>>, vector<16xf32>,
      %parallel_loop3A_674 = arith.index_cast %parallel_loop3A_650 : i32 to index
      %parallel_loop3A_675 = arith.constant 32 : index
      %parallel_loop3A_676 = tpu.vector_load %arg8[%parallel_loop3A_674, %parallel_loop3A_675] {strides = array<i32>} : memref<512x64xf32, #tpu.memory_space<vmem>>, vector<16xf32>,
      %parallel_loop3A_677 = arith.subf %parallel_loop3A_673, %parallel_loop3A_676 : vector<16xf32>
      %parallel_loop3A_678 = math.absf %parallel_loop3A_677 : vector<16xf32>
      %parallel_loop3A_679 = arith.mulf %broadcast_in_dim3A_104, %parallel_loop3A_678 : vector<16xf32>
      %parallel_loop3A_680 = arith.addf %parallel_loop3A_636, %parallel_loop3A_679 : vector<16xf32>
      %parallel_loop3A_681 = arith.index_cast %parallel_loop3A_650 : i32 to index
      %parallel_loop3A_682 = arith.constant 48 : index
      %parallel_loop3A_683 = tpu.vector_load %arg7[%parallel_loop3A_681, %parallel_loop3A_682] {strides = array<i32>} : memref<512x64xf32, #tpu.memory_space<vmem>>, vector<16xf32>,
      %parallel_loop3A_684 = arith.index_cast %parallel_loop3A_650 : i32 to index
      %parallel_loop3A_685 = arith.constant 48 : index
      %parallel_loop3A_686 = tpu.vector_load %arg8[%parallel_loop3A_684, %parallel_loop3A_685] {strides = array<i32>} : memref<512x64xf32, #tpu.memory_space<vmem>>, vector<16xf32>,
      %parallel_loop3A_687 = arith.subf %parallel_loop3A_683, %parallel_loop3A_686 : vector<16xf32>
      %parallel_loop3A_688 = math.absf %parallel_loop3A_687 : vector<16xf32>
      %parallel_loop3A_689 = arith.mulf %select_n3A_112, %parallel_loop3A_688 : vector<16xf32>
      %parallel_loop3A_690 = arith.addf %parallel_loop3A_646, %parallel_loop3A_689 : vector<16xf32>
      %parallel_loop3A_691 = arith.constant 16 : i32
      %parallel_loop3A_692 = arith.muli %parallel_loop3A_124, %parallel_loop3A_691 : i32
      %parallel_loop3A_693 = arith.constant 12 : i32
      %parallel_loop3A_694 = arith.addi %parallel_loop3A_692, %parallel_loop3A_693 : i32
      %parallel_loop3A_695 = arith.index_cast %parallel_loop3A_694 : i32 to index
      %parallel_loop3A_696 = arith.constant 0 : index
      %parallel_loop3A_697 = tpu.vector_load %arg7[%parallel_loop3A_695, %parallel_loop3A_696] {strides = array<i32>} : memref<512x64xf32, #tpu.memory_space<vmem>>, vector<16xf32>,
      %parallel_loop3A_698 = arith.index_cast %parallel_loop3A_694 : i32 to index
      %parallel_loop3A_699 = arith.constant 0 : index
      %parallel_loop3A_700 = tpu.vector_load %arg8[%parallel_loop3A_698, %parallel_loop3A_699] {strides = array<i32>} : memref<512x64xf32, #tpu.memory_space<vmem>>, vector<16xf32>,
      %parallel_loop3A_701 = arith.subf %parallel_loop3A_697, %parallel_loop3A_700 : vector<16xf32>
      %parallel_loop3A_702 = math.absf %parallel_loop3A_701 : vector<16xf32>
      %parallel_loop3A_703 = arith.mulf %select_n3A_100, %parallel_loop3A_702 : vector<16xf32>
      %parallel_loop3A_704 = arith.addf %parallel_loop3A_660, %parallel_loop3A_703 : vector<16xf32>
      %parallel_loop3A_705 = arith.index_cast %parallel_loop3A_694 : i32 to index
      %parallel_loop3A_706 = arith.constant 16 : index
      %parallel_loop3A_707 = tpu.vector_load %arg7[%parallel_loop3A_705, %parallel_loop3A_706] {strides = array<i32>} : memref<512x64xf32, #tpu.memory_space<vmem>>, vector<16xf32>,
      %parallel_loop3A_708 = arith.index_cast %parallel_loop3A_694 : i32 to index
      %parallel_loop3A_709 = arith.constant 16 : index
      %parallel_loop3A_710 = tpu.vector_load %arg8[%parallel_loop3A_708, %parallel_loop3A_709] {strides = array<i32>} : memref<512x64xf32, #tpu.memory_space<vmem>>, vector<16xf32>,
      %parallel_loop3A_711 = arith.subf %parallel_loop3A_707, %parallel_loop3A_710 : vector<16xf32>
      %parallel_loop3A_712 = math.absf %parallel_loop3A_711 : vector<16xf32>
      %parallel_loop3A_713 = arith.mulf %broadcast_in_dim3A_102, %parallel_loop3A_712 : vector<16xf32>
      %parallel_loop3A_714 = arith.addf %parallel_loop3A_670, %parallel_loop3A_713 : vector<16xf32>
      %parallel_loop3A_715 = arith.index_cast %parallel_loop3A_694 : i32 to index
      %parallel_loop3A_716 = arith.constant 32 : index
      %parallel_loop3A_717 = tpu.vector_load %arg7[%parallel_loop3A_715, %parallel_loop3A_716] {strides = array<i32>} : memref<512x64xf32, #tpu.memory_space<vmem>>, vector<16xf32>,
      %parallel_loop3A_718 = arith.index_cast %parallel_loop3A_694 : i32 to index
      %parallel_loop3A_719 = arith.constant 32 : index
      %parallel_loop3A_720 = tpu.vector_load %arg8[%parallel_loop3A_718, %parallel_loop3A_719] {strides = array<i32>} : memref<512x64xf32, #tpu.memory_space<vmem>>, vector<16xf32>,
      %parallel_loop3A_721 = arith.subf %parallel_loop3A_717, %parallel_loop3A_720 : vector<16xf32>
      %parallel_loop3A_722 = math.absf %parallel_loop3A_721 : vector<16xf32>
      %parallel_loop3A_723 = arith.mulf %broadcast_in_dim3A_104, %parallel_loop3A_722 : vector<16xf32>
      %parallel_loop3A_724 = arith.addf %parallel_loop3A_680, %parallel_loop3A_723 : vector<16xf32>
      %parallel_loop3A_725 = arith.index_cast %parallel_loop3A_694 : i32 to index
      %parallel_loop3A_726 = arith.constant 48 : index
      %parallel_loop3A_727 = tpu.vector_load %arg7[%parallel_loop3A_725, %parallel_loop3A_726] {strides = array<i32>} : memref<512x64xf32, #tpu.memory_space<vmem>>, vector<16xf32>,
      %parallel_loop3A_728 = arith.index_cast %parallel_loop3A_694 : i32 to index
      %parallel_loop3A_729 = arith.constant 48 : index
      %parallel_loop3A_730 = tpu.vector_load %arg8[%parallel_loop3A_728, %parallel_loop3A_729] {strides = array<i32>} : memref<512x64xf32, #tpu.memory_space<vmem>>, vector<16xf32>,
      %parallel_loop3A_731 = arith.subf %parallel_loop3A_727, %parallel_loop3A_730 : vector<16xf32>
      %parallel_loop3A_732 = math.absf %parallel_loop3A_731 : vector<16xf32>
      %parallel_loop3A_733 = arith.mulf %select_n3A_112, %parallel_loop3A_732 : vector<16xf32>
      %parallel_loop3A_734 = arith.addf %parallel_loop3A_690, %parallel_loop3A_733 : vector<16xf32>
      %parallel_loop3A_735 = arith.constant 16 : i32
      %parallel_loop3A_736 = arith.muli %parallel_loop3A_124, %parallel_loop3A_735 : i32
      %parallel_loop3A_737 = arith.constant 13 : i32
      %parallel_loop3A_738 = arith.addi %parallel_loop3A_736, %parallel_loop3A_737 : i32
      %parallel_loop3A_739 = arith.index_cast %parallel_loop3A_738 : i32 to index
      %parallel_loop3A_740 = arith.constant 0 : index
      %parallel_loop3A_741 = tpu.vector_load %arg7[%parallel_loop3A_739, %parallel_loop3A_740] {strides = array<i32>} : memref<512x64xf32, #tpu.memory_space<vmem>>, vector<16xf32>,
      %parallel_loop3A_742 = arith.index_cast %parallel_loop3A_738 : i32 to index
      %parallel_loop3A_743 = arith.constant 0 : index
      %parallel_loop3A_744 = tpu.vector_load %arg8[%parallel_loop3A_742, %parallel_loop3A_743] {strides = array<i32>} : memref<512x64xf32, #tpu.memory_space<vmem>>, vector<16xf32>,
      %parallel_loop3A_745 = arith.subf %parallel_loop3A_741, %parallel_loop3A_744 : vector<16xf32>
      %parallel_loop3A_746 = math.absf %parallel_loop3A_745 : vector<16xf32>
      %parallel_loop3A_747 = arith.mulf %select_n3A_100, %parallel_loop3A_746 : vector<16xf32>
      %parallel_loop3A_748 = arith.addf %parallel_loop3A_704, %parallel_loop3A_747 : vector<16xf32>
      %parallel_loop3A_749 = arith.index_cast %parallel_loop3A_738 : i32 to index
      %parallel_loop3A_750 = arith.constant 16 : index
      %parallel_loop3A_751 = tpu.vector_load %arg7[%parallel_loop3A_749, %parallel_loop3A_750] {strides = array<i32>} : memref<512x64xf32, #tpu.memory_space<vmem>>, vector<16xf32>,
      %parallel_loop3A_752 = arith.index_cast %parallel_loop3A_738 : i32 to index
      %parallel_loop3A_753 = arith.constant 16 : index
      %parallel_loop3A_754 = tpu.vector_load %arg8[%parallel_loop3A_752, %parallel_loop3A_753] {strides = array<i32>} : memref<512x64xf32, #tpu.memory_space<vmem>>, vector<16xf32>,
      %parallel_loop3A_755 = arith.subf %parallel_loop3A_751, %parallel_loop3A_754 : vector<16xf32>
      %parallel_loop3A_756 = math.absf %parallel_loop3A_755 : vector<16xf32>
      %parallel_loop3A_757 = arith.mulf %broadcast_in_dim3A_102, %parallel_loop3A_756 : vector<16xf32>
      %parallel_loop3A_758 = arith.addf %parallel_loop3A_714, %parallel_loop3A_757 : vector<16xf32>
      %parallel_loop3A_759 = arith.index_cast %parallel_loop3A_738 : i32 to index
      %parallel_loop3A_760 = arith.constant 32 : index
      %parallel_loop3A_761 = tpu.vector_load %arg7[%parallel_loop3A_759, %parallel_loop3A_760] {strides = array<i32>} : memref<512x64xf32, #tpu.memory_space<vmem>>, vector<16xf32>,
      %parallel_loop3A_762 = arith.index_cast %parallel_loop3A_738 : i32 to index
      %parallel_loop3A_763 = arith.constant 32 : index
      %parallel_loop3A_764 = tpu.vector_load %arg8[%parallel_loop3A_762, %parallel_loop3A_763] {strides = array<i32>} : memref<512x64xf32, #tpu.memory_space<vmem>>, vector<16xf32>,
      %parallel_loop3A_765 = arith.subf %parallel_loop3A_761, %parallel_loop3A_764 : vector<16xf32>
      %parallel_loop3A_766 = math.absf %parallel_loop3A_765 : vector<16xf32>
      %parallel_loop3A_767 = arith.mulf %broadcast_in_dim3A_104, %parallel_loop3A_766 : vector<16xf32>
      %parallel_loop3A_768 = arith.addf %parallel_loop3A_724, %parallel_loop3A_767 : vector<16xf32>
      %parallel_loop3A_769 = arith.index_cast %parallel_loop3A_738 : i32 to index
      %parallel_loop3A_770 = arith.constant 48 : index
      %parallel_loop3A_771 = tpu.vector_load %arg7[%parallel_loop3A_769, %parallel_loop3A_770] {strides = array<i32>} : memref<512x64xf32, #tpu.memory_space<vmem>>, vector<16xf32>,
      %parallel_loop3A_772 = arith.index_cast %parallel_loop3A_738 : i32 to index
      %parallel_loop3A_773 = arith.constant 48 : index
      %parallel_loop3A_774 = tpu.vector_load %arg8[%parallel_loop3A_772, %parallel_loop3A_773] {strides = array<i32>} : memref<512x64xf32, #tpu.memory_space<vmem>>, vector<16xf32>,
      %parallel_loop3A_775 = arith.subf %parallel_loop3A_771, %parallel_loop3A_774 : vector<16xf32>
      %parallel_loop3A_776 = math.absf %parallel_loop3A_775 : vector<16xf32>
      %parallel_loop3A_777 = arith.mulf %select_n3A_112, %parallel_loop3A_776 : vector<16xf32>
      %parallel_loop3A_778 = arith.addf %parallel_loop3A_734, %parallel_loop3A_777 : vector<16xf32>
      %parallel_loop3A_779 = arith.constant 16 : i32
      %parallel_loop3A_780 = arith.muli %parallel_loop3A_124, %parallel_loop3A_779 : i32
      %parallel_loop3A_781 = arith.constant 14 : i32
      %parallel_loop3A_782 = arith.addi %parallel_loop3A_780, %parallel_loop3A_781 : i32
      %parallel_loop3A_783 = arith.index_cast %parallel_loop3A_782 : i32 to index
      %parallel_loop3A_784 = arith.constant 0 : index
      %parallel_loop3A_785 = tpu.vector_load %arg7[%parallel_loop3A_783, %parallel_loop3A_784] {strides = array<i32>} : memref<512x64xf32, #tpu.memory_space<vmem>>, vector<16xf32>,
      %parallel_loop3A_786 = arith.index_cast %parallel_loop3A_782 : i32 to index
      %parallel_loop3A_787 = arith.constant 0 : index
      %parallel_loop3A_788 = tpu.vector_load %arg8[%parallel_loop3A_786, %parallel_loop3A_787] {strides = array<i32>} : memref<512x64xf32, #tpu.memory_space<vmem>>, vector<16xf32>,
      %parallel_loop3A_789 = arith.subf %parallel_loop3A_785, %parallel_loop3A_788 : vector<16xf32>
      %parallel_loop3A_790 = math.absf %parallel_loop3A_789 : vector<16xf32>
      %parallel_loop3A_791 = arith.mulf %select_n3A_100, %parallel_loop3A_790 : vector<16xf32>
      %parallel_loop3A_792 = arith.addf %parallel_loop3A_748, %parallel_loop3A_791 : vector<16xf32>
      %parallel_loop3A_793 = arith.index_cast %parallel_loop3A_782 : i32 to index
      %parallel_loop3A_794 = arith.constant 16 : index
      %parallel_loop3A_795 = tpu.vector_load %arg7[%parallel_loop3A_793, %parallel_loop3A_794] {strides = array<i32>} : memref<512x64xf32, #tpu.memory_space<vmem>>, vector<16xf32>,
      %parallel_loop3A_796 = arith.index_cast %parallel_loop3A_782 : i32 to index
      %parallel_loop3A_797 = arith.constant 16 : index
      %parallel_loop3A_798 = tpu.vector_load %arg8[%parallel_loop3A_796, %parallel_loop3A_797] {strides = array<i32>} : memref<512x64xf32, #tpu.memory_space<vmem>>, vector<16xf32>,
      %parallel_loop3A_799 = arith.subf %parallel_loop3A_795, %parallel_loop3A_798 : vector<16xf32>
      %parallel_loop3A_800 = math.absf %parallel_loop3A_799 : vector<16xf32>
      %parallel_loop3A_801 = arith.mulf %broadcast_in_dim3A_102, %parallel_loop3A_800 : vector<16xf32>
      %parallel_loop3A_802 = arith.addf %parallel_loop3A_758, %parallel_loop3A_801 : vector<16xf32>
      %parallel_loop3A_803 = arith.index_cast %parallel_loop3A_782 : i32 to index
      %parallel_loop3A_804 = arith.constant 32 : index
      %parallel_loop3A_805 = tpu.vector_load %arg7[%parallel_loop3A_803, %parallel_loop3A_804] {strides = array<i32>} : memref<512x64xf32, #tpu.memory_space<vmem>>, vector<16xf32>,
      %parallel_loop3A_806 = arith.index_cast %parallel_loop3A_782 : i32 to index
      %parallel_loop3A_807 = arith.constant 32 : index
      %parallel_loop3A_808 = tpu.vector_load %arg8[%parallel_loop3A_806, %parallel_loop3A_807] {strides = array<i32>} : memref<512x64xf32, #tpu.memory_space<vmem>>, vector<16xf32>,
      %parallel_loop3A_809 = arith.subf %parallel_loop3A_805, %parallel_loop3A_808 : vector<16xf32>
      %parallel_loop3A_810 = math.absf %parallel_loop3A_809 : vector<16xf32>
      %parallel_loop3A_811 = arith.mulf %broadcast_in_dim3A_104, %parallel_loop3A_810 : vector<16xf32>
      %parallel_loop3A_812 = arith.addf %parallel_loop3A_768, %parallel_loop3A_811 : vector<16xf32>
      %parallel_loop3A_813 = arith.index_cast %parallel_loop3A_782 : i32 to index
      %parallel_loop3A_814 = arith.constant 48 : index
      %parallel_loop3A_815 = tpu.vector_load %arg7[%parallel_loop3A_813, %parallel_loop3A_814] {strides = array<i32>} : memref<512x64xf32, #tpu.memory_space<vmem>>, vector<16xf32>,
      %parallel_loop3A_816 = arith.index_cast %parallel_loop3A_782 : i32 to index
      %parallel_loop3A_817 = arith.constant 48 : index
      %parallel_loop3A_818 = tpu.vector_load %arg8[%parallel_loop3A_816, %parallel_loop3A_817] {strides = array<i32>} : memref<512x64xf32, #tpu.memory_space<vmem>>, vector<16xf32>,
      %parallel_loop3A_819 = arith.subf %parallel_loop3A_815, %parallel_loop3A_818 : vector<16xf32>
      %parallel_loop3A_820 = math.absf %parallel_loop3A_819 : vector<16xf32>
      %parallel_loop3A_821 = arith.mulf %select_n3A_112, %parallel_loop3A_820 : vector<16xf32>
      %parallel_loop3A_822 = arith.addf %parallel_loop3A_778, %parallel_loop3A_821 : vector<16xf32>
      %parallel_loop3A_823 = arith.constant 16 : i32
      %parallel_loop3A_824 = arith.muli %parallel_loop3A_124, %parallel_loop3A_823 : i32
      %parallel_loop3A_825 = arith.constant 15 : i32
      %parallel_loop3A_826 = arith.addi %parallel_loop3A_824, %parallel_loop3A_825 : i32
      %parallel_loop3A_827 = arith.index_cast %parallel_loop3A_826 : i32 to index
      %parallel_loop3A_828 = arith.constant 0 : index
      %parallel_loop3A_829 = tpu.vector_load %arg7[%parallel_loop3A_827, %parallel_loop3A_828] {strides = array<i32>} : memref<512x64xf32, #tpu.memory_space<vmem>>, vector<16xf32>,
      %parallel_loop3A_830 = arith.index_cast %parallel_loop3A_826 : i32 to index
      %parallel_loop3A_831 = arith.constant 0 : index
      %parallel_loop3A_832 = tpu.vector_load %arg8[%parallel_loop3A_830, %parallel_loop3A_831] {strides = array<i32>} : memref<512x64xf32, #tpu.memory_space<vmem>>, vector<16xf32>,
      %parallel_loop3A_833 = arith.subf %parallel_loop3A_829, %parallel_loop3A_832 : vector<16xf32>
      %parallel_loop3A_834 = math.absf %parallel_loop3A_833 : vector<16xf32>
      %parallel_loop3A_835 = arith.mulf %select_n3A_100, %parallel_loop3A_834 : vector<16xf32>
      %parallel_loop3A_836 = arith.addf %parallel_loop3A_792, %parallel_loop3A_835 : vector<16xf32>
      %parallel_loop3A_837 = arith.index_cast %parallel_loop3A_826 : i32 to index
      %parallel_loop3A_838 = arith.constant 16 : index
      %parallel_loop3A_839 = tpu.vector_load %arg7[%parallel_loop3A_837, %parallel_loop3A_838] {strides = array<i32>} : memref<512x64xf32, #tpu.memory_space<vmem>>, vector<16xf32>,
      %parallel_loop3A_840 = arith.index_cast %parallel_loop3A_826 : i32 to index
      %parallel_loop3A_841 = arith.constant 16 : index
      %parallel_loop3A_842 = tpu.vector_load %arg8[%parallel_loop3A_840, %parallel_loop3A_841] {strides = array<i32>} : memref<512x64xf32, #tpu.memory_space<vmem>>, vector<16xf32>,
      %parallel_loop3A_843 = arith.subf %parallel_loop3A_839, %parallel_loop3A_842 : vector<16xf32>
      %parallel_loop3A_844 = math.absf %parallel_loop3A_843 : vector<16xf32>
      %parallel_loop3A_845 = arith.mulf %broadcast_in_dim3A_102, %parallel_loop3A_844 : vector<16xf32>
      %parallel_loop3A_846 = arith.addf %parallel_loop3A_802, %parallel_loop3A_845 : vector<16xf32>
      %parallel_loop3A_847 = arith.index_cast %parallel_loop3A_826 : i32 to index
      %parallel_loop3A_848 = arith.constant 32 : index
      %parallel_loop3A_849 = tpu.vector_load %arg7[%parallel_loop3A_847, %parallel_loop3A_848] {strides = array<i32>} : memref<512x64xf32, #tpu.memory_space<vmem>>, vector<16xf32>,
      %parallel_loop3A_850 = arith.index_cast %parallel_loop3A_826 : i32 to index
      %parallel_loop3A_851 = arith.constant 32 : index
      %parallel_loop3A_852 = tpu.vector_load %arg8[%parallel_loop3A_850, %parallel_loop3A_851] {strides = array<i32>} : memref<512x64xf32, #tpu.memory_space<vmem>>, vector<16xf32>,
      %parallel_loop3A_853 = arith.subf %parallel_loop3A_849, %parallel_loop3A_852 : vector<16xf32>
      %parallel_loop3A_854 = math.absf %parallel_loop3A_853 : vector<16xf32>
      %parallel_loop3A_855 = arith.mulf %broadcast_in_dim3A_104, %parallel_loop3A_854 : vector<16xf32>
      %parallel_loop3A_856 = arith.addf %parallel_loop3A_812, %parallel_loop3A_855 : vector<16xf32>
      %parallel_loop3A_857 = arith.index_cast %parallel_loop3A_826 : i32 to index
      %parallel_loop3A_858 = arith.constant 48 : index
      %parallel_loop3A_859 = tpu.vector_load %arg7[%parallel_loop3A_857, %parallel_loop3A_858] {strides = array<i32>} : memref<512x64xf32, #tpu.memory_space<vmem>>, vector<16xf32>,
      %parallel_loop3A_860 = arith.index_cast %parallel_loop3A_826 : i32 to index
      %parallel_loop3A_861 = arith.constant 48 : index
      %parallel_loop3A_862 = tpu.vector_load %arg8[%parallel_loop3A_860, %parallel_loop3A_861] {strides = array<i32>} : memref<512x64xf32, #tpu.memory_space<vmem>>, vector<16xf32>,
      %parallel_loop3A_863 = arith.subf %parallel_loop3A_859, %parallel_loop3A_862 : vector<16xf32>
      %parallel_loop3A_864 = math.absf %parallel_loop3A_863 : vector<16xf32>
      %parallel_loop3A_865 = arith.mulf %select_n3A_112, %parallel_loop3A_864 : vector<16xf32>
      %parallel_loop3A_866 = arith.addf %parallel_loop3A_822, %parallel_loop3A_865 : vector<16xf32>
      scf.yield %parallel_loop3A_836, %parallel_loop3A_846, %parallel_loop3A_856, %parallel_loop3A_866, %parallel_loop3A_162 : vector<16xf32>, vector<16xf32>, vector<16xf32>, vector<16xf32>, vector<16xf32>
    } {sc.loop_unroll_factor = 2 : i64, sc.parallel_access}
    %add3A_116 = arith.addf %parallel_loop3A_115#0, %parallel_loop3A_115#1 : vector<16xf32>
    %add3A_117 = arith.addf %parallel_loop3A_115#2, %parallel_loop3A_115#3 : vector<16xf32>
    %add3A_118 = arith.addf %add3A_116, %add3A_117 : vector<16xf32>
    %mul3A_119 = arith.constant 3.05175781E-5 : f32
    %mul3A_120 = vector.broadcast %mul3A_119 : f32 to vector<16xf32>
    %mul3A_121 = arith.mulf %mul3A_120, %parallel_loop3A_115#4 : vector<16xf32>
    %add3A_122 = arith.addf %add3A_118, %mul3A_121 : vector<16xf32>
    %swap3A = arith.constant 0 : index
    %swap3A_123 = tpu.vector_load %arg9[%swap3A] {strides = array<i32>} : memref<16xf32, #tpu.memory_space<vmem>>, vector<16xf32>,
    tpu.vector_store %arg9[%swap3A], %add3A_122 {strides = array<i32>} : memref<16xf32, #tpu.memory_space<vmem>>, vector<16xf32>,
    "tpu.region"() ({
      %run_scoped3A = tpu.sem_alloc : memref<!tpu.dma_semaphore, #tpu.memory_space<semaphore_mem>>
      %dma_start3A_124 = arith.constant 0 : i32
      %dma_start3A_125 = tpu.memref_slice %arg5[%add3A, %dma_start3A_124] : memref<32x16xf32, #tpu.memory_space<hbm>> -> memref<1x16xf32, #tpu.memory_space<hbm>>
      %dma_start3A_126 = tpu.memref_squeeze %dma_start3A_125 : memref<1x16xf32, #tpu.memory_space<hbm>> -> memref<16xf32, #tpu.memory_space<hbm>>
      %dma_start3A_127 = arith.constant 0 : i32
      %dma_start3A_128 = tpu.memref_slice %arg5[%add3A, %dma_start3A_127] : memref<32x16xf32, #tpu.memory_space<hbm>> -> memref<1x16xf32, #tpu.memory_space<hbm>>
      %dma_start3A_129 = tpu.memref_squeeze %dma_start3A_128 : memref<1x16xf32, #tpu.memory_space<hbm>> -> memref<16xf32, #tpu.memory_space<hbm>>
      tpu.enqueue_dma source(%arg9 : memref<16xf32, #tpu.memory_space<vmem>>) target(%dma_start3A_129 : memref<16xf32, #tpu.memory_space<hbm>>) target_semaphore(%run_scoped3A : memref<!tpu.dma_semaphore, #tpu.memory_space<semaphore_mem>>)
      %dma_wait3A_130 = arith.constant 0 : i32
      %dma_wait3A_131 = tpu.memref_slice %arg5[%add3A, %dma_wait3A_130] : memref<32x16xf32, #tpu.memory_space<hbm>> -> memref<1x16xf32, #tpu.memory_space<hbm>>
      %dma_wait3A_132 = tpu.memref_squeeze %dma_wait3A_131 : memref<1x16xf32, #tpu.memory_space<hbm>> -> memref<16xf32, #tpu.memory_space<hbm>>
      %dma_wait3A_133 = arith.constant 0 : i32
      %dma_wait3A_134 = tpu.memref_slice %arg5[%add3A, %dma_wait3A_133] : memref<32x16xf32, #tpu.memory_space<hbm>> -> memref<1x16xf32, #tpu.memory_space<hbm>>
      %dma_wait3A_135 = tpu.memref_squeeze %dma_wait3A_134 : memref<1x16xf32, #tpu.memory_space<hbm>> -> memref<16xf32, #tpu.memory_space<hbm>>
      tpu.wait_dma2 semaphore(%run_scoped3A : memref<!tpu.dma_semaphore, #tpu.memory_space<semaphore_mem>>) src(%arg9 : memref<16xf32, #tpu.memory_space<vmem>>) dst(%dma_wait3A_135 : memref<16xf32, #tpu.memory_space<hbm>>)
      tpu.yield
    }) : () -> ()
    return
  }
}

module attributes {stable_mosaic.version = 14 : i64} {
  func.func @_dist_kernel(%arg0: i32, %arg1: i32, %arg2: memref<1x4096x3xf32, #tpu.memory_space<vmem>>, %arg3: memref<1x3x4096xf32, #tpu.memory_space<vmem>>, %arg4: memref<1x1x1024xi32, #tpu.memory_space<vmem>>, %arg5: memref<1x2xf32, #tpu.memory_space<smem>>, %arg6: memref<1x4096xi32, #tpu.memory_space<vmem>>, %arg7: memref<24x4096xbf16, #tpu.memory_space<vmem>>, %arg8: memref<4096x24xbf16, #tpu.memory_space<vmem>>) attributes {dimension_semantics = [#tpu.dimension_semantics<arbitrary>, #tpu.dimension_semantics<arbitrary>], iteration_bounds = array<i64: 4, 4>, scalar_prefetch = 0 : i64, scratch_operands = 3 : i64, tpu.core_type = #tpu.core_type<tc>, window_params = [{transform_indices = @transform_0, window_bounds = array<i64: 1, 4096, 3>}, {transform_indices = @transform_1, window_bounds = array<i64: 1, 3, 4096>}, {transform_indices = @transform_2, window_bounds = array<i64: 1, 1, 1024>}, {transform_indices = @transform_3, window_bounds = array<i64: 1, 2>}]} {
    %eq3A = arith.constant 0 : i32
    %eq3A_0 = arith.cmpi eq, %arg1, %eq3A : i32
    %convert_element_type3A = arith.extui %eq3A_0 : i1 to i32
    %cond3A = arith.constant 0 : i32
    %cond3A_1 = arith.cmpi ne, %convert_element_type3A, %cond3A : i32
    scf.if %cond3A_1 {
      %get3A_92 = arith.constant 0 : index
      %get3A_93 = arith.constant 0 : index
      %get3A_94 = arith.constant 0 : index
      %get3A_95 = vector.load %arg2[%get3A_92, %get3A_93, %get3A_94] : memref<1x4096x3xf32, #tpu.memory_space<vmem>>, vector<1x4096x3xf32>
      %get3A_96 = vector.shape_cast %get3A_95 : vector<1x4096x3xf32> to vector<4096x3xf32>
      %mul3A_97 = arith.mulf %get3A_96, %get3A_96 : vector<4096x3xf32>
      %reduce_sum3A_98 = arith.constant dense<0.000000e+00> : vector<4096xf32>
      %reduce_sum3A_99 = vector.multi_reduction <add>, %mul3A_97, %reduce_sum3A_98 [1] : vector<4096x3xf32> to vector<4096xf32>
      %broadcast_in_dim3A_100 = vector.shape_cast %reduce_sum3A_99 : vector<4096xf32> to vector<4096x1xf32>
      %mul3A_101 = arith.constant -2.000000e+00 : f32
      %mul3A_102 = vector.broadcast %mul3A_101 : f32 to vector<4096x3xf32>
      %mul3A_103 = arith.mulf %mul3A_102, %get3A_96 : vector<4096x3xf32>
      %broadcast_in_dim3A_104 = arith.constant 1.000000e+00 : f32
      %broadcast_in_dim3A_105 = vector.broadcast %broadcast_in_dim3A_104 : f32 to vector<4096x1xf32>
      %broadcast_in_dim3A_106 = arith.constant 0.000000e+00 : f32
      %broadcast_in_dim3A_107 = vector.broadcast %broadcast_in_dim3A_106 : f32 to vector<4096x3xf32>
      %concatenate3A_108 = tpu.concatenate %mul3A_103, %broadcast_in_dim3A_105, %broadcast_in_dim3A_100, %broadcast_in_dim3A_107 in 1 : vector<4096x3xf32>, vector<4096x1xf32>, vector<4096x1xf32>, vector<4096x3xf32> -> vector<4096x8xf32>
      %get3A_109 = arith.constant 0 : index
      %get3A_110 = arith.constant 0 : index
      %get3A_111 = arith.constant 0 : index
      %get3A_112 = vector.load %arg3[%get3A_109, %get3A_110, %get3A_111] : memref<1x3x4096xf32, #tpu.memory_space<vmem>>, vector<1x3x4096xf32>
      %get3A_113 = vector.shape_cast %get3A_112 : vector<1x3x4096xf32> to vector<3x4096xf32>
      %mul3A_114 = arith.mulf %get3A_113, %get3A_113 : vector<3x4096xf32>
      %reduce_sum3A_115 = arith.constant dense<0.000000e+00> : vector<4096xf32>
      %reduce_sum3A_116 = vector.multi_reduction <add>, %mul3A_114, %reduce_sum3A_115 [0] : vector<3x4096xf32> to vector<4096xf32>
      %broadcast_in_dim3A_117 = vector.shape_cast %reduce_sum3A_116 : vector<4096xf32> to vector<1x4096xf32>
      %broadcast_in_dim3A_118 = arith.constant 1.000000e+00 : f32
      %broadcast_in_dim3A_119 = vector.broadcast %broadcast_in_dim3A_118 : f32 to vector<1x4096xf32>
      %broadcast_in_dim3A_120 = arith.constant 0.000000e+00 : f32
      %broadcast_in_dim3A_121 = vector.broadcast %broadcast_in_dim3A_120 : f32 to vector<3x4096xf32>
      %concatenate3A_122 = tpu.concatenate %get3A_113, %broadcast_in_dim3A_117, %broadcast_in_dim3A_119, %broadcast_in_dim3A_121 in 0 : vector<3x4096xf32>, vector<1x4096xf32>, vector<1x4096xf32>, vector<3x4096xf32> -> vector<8x4096xf32>
      %convert_element_type3A_123 = arith.truncf %concatenate3A_108 : vector<4096x8xf32> to vector<4096x8xbf16>
      %convert_element_type3A_124 = arith.extf %convert_element_type3A_123 : vector<4096x8xbf16> to vector<4096x8xf32>
      %sub3A = arith.subf %concatenate3A_108, %convert_element_type3A_124 : vector<4096x8xf32>
      %convert_element_type3A_125 = arith.truncf %sub3A : vector<4096x8xf32> to vector<4096x8xbf16>
      %concatenate3A_126 = tpu.concatenate %convert_element_type3A_123, %convert_element_type3A_123, %convert_element_type3A_125 in 1 : vector<4096x8xbf16>, vector<4096x8xbf16>, vector<4096x8xbf16> -> vector<4096x24xbf16>
      %swap3A_127 = arith.constant 0 : index
      %swap3A_128 = arith.constant 0 : index
      %swap3A_129 = vector.load %arg8[%swap3A_127, %swap3A_128] : memref<4096x24xbf16, #tpu.memory_space<vmem>>, vector<4096x24xbf16>
      tpu.vector_store %arg8[%swap3A_127, %swap3A_128], %concatenate3A_126 {strides = array<i32>} : memref<4096x24xbf16, #tpu.memory_space<vmem>>, vector<4096x24xbf16>,
      %convert_element_type3A_130 = arith.truncf %concatenate3A_122 : vector<8x4096xf32> to vector<8x4096xbf16>
      %convert_element_type3A_131 = arith.extf %convert_element_type3A_130 : vector<8x4096xbf16> to vector<8x4096xf32>
      %sub3A_132 = arith.subf %concatenate3A_122, %convert_element_type3A_131 : vector<8x4096xf32>
      %convert_element_type3A_133 = arith.truncf %sub3A_132 : vector<8x4096xf32> to vector<8x4096xbf16>
      %concatenate3A_134 = tpu.concatenate %convert_element_type3A_130, %convert_element_type3A_133, %convert_element_type3A_130 in 0 : vector<8x4096xbf16>, vector<8x4096xbf16>, vector<8x4096xbf16> -> vector<24x4096xbf16>
      %swap3A_135 = arith.constant 0 : index
      %swap3A_136 = arith.constant 0 : index
      %swap3A_137 = vector.load %arg7[%swap3A_135, %swap3A_136] : memref<24x4096xbf16, #tpu.memory_space<vmem>>, vector<24x4096xbf16>
      tpu.vector_store %arg7[%swap3A_135, %swap3A_136], %concatenate3A_134 {strides = array<i32>} : memref<24x4096xbf16, #tpu.memory_space<vmem>>, vector<24x4096xbf16>,
    } else {
    }
    %mul3A = arith.constant 1024 : i32
    %mul3A_2 = arith.muli %arg1, %mul3A : i32
    %get3A = arith.index_cast %mul3A_2 : i32 to index
    %get3A_3 = arith.constant 0 : index
    %get3A_4 = vector.load %arg8[%get3A, %get3A_3] : memref<4096x24xbf16, #tpu.memory_space<vmem>>, vector<1024x24xbf16>
    %get3A_5 = arith.constant 0 : index
    %get3A_6 = arith.constant 0 : index
    %get3A_7 = vector.load %arg7[%get3A_5, %get3A_6] : memref<24x4096xbf16, #tpu.memory_space<vmem>>, vector<24x2048xbf16>
    %dot_general3A = arith.constant dense<0.000000e+00> : vector<1024x2048xf32>
    %dot_general3A_8 = tpu.matmul %get3A_4, %get3A_7, %dot_general3A {dimension_numbers = #tpu.dot_dimension_numbers<[1], [0], [0], [1], [0, 0, 1, 1], [], []>, transpose_lhs_hint = false} : vector<1024x24xbf16>, vector<24x2048xbf16>, vector<1024x2048xf32> -> vector<1024x2048xf32>
    %bitcast_convert_type3A = tpu.bitcast %dot_general3A_8 : vector<1024x2048xf32> -> vector<1024x2048xi32>
    %iota3A = tpu.iota {dimensions = array<i32: 1>} : vector<1024x2048xi32>
    %add3A = arith.constant 0 : i32
    %add3A_9 = vector.broadcast %add3A : i32 to vector<1024x2048xi32>
    %add3A_10 = arith.addi %iota3A, %add3A_9 : vector<1024x2048xi32>
    %and3A = arith.constant -4096 : i32
    %and3A_11 = vector.broadcast %and3A : i32 to vector<1024x2048xi32>
    %and3A_12 = arith.andi %bitcast_convert_type3A, %and3A_11 : vector<1024x2048xi32>
    %or3A = arith.ori %and3A_12, %add3A_10 : vector<1024x2048xi32>
    %bitcast_convert_type3A_13 = tpu.bitcast %or3A : vector<1024x2048xi32> -> vector<1024x2048xf32>
    %reduce_min3A = arith.constant dense<0x7F800000> : vector<1024xf32>
    %reduce_min3A_14 = vector.multi_reduction <minimumf>, %bitcast_convert_type3A_13, %reduce_min3A [1] : vector<1024x2048xf32> to vector<1024xf32>
    %broadcast_in_dim3A = vector.shape_cast %reduce_min3A_14 : vector<1024xf32> to vector<1024x1xf32>
    %reduce_min3A_15 = arith.constant dense<0x7F800000> : vector<2048xf32>
    %reduce_min3A_16 = vector.multi_reduction <minimumf>, %bitcast_convert_type3A_13, %reduce_min3A_15 [0] : vector<1024x2048xf32> to vector<2048xf32>
    %broadcast_in_dim3A_17 = vector.shape_cast %reduce_min3A_16 : vector<2048xf32> to vector<1x2048xf32>
    %get3A_18 = arith.constant 0 : index
    %get3A_19 = arith.constant 2048 : index
    %get3A_20 = vector.load %arg7[%get3A_18, %get3A_19] : memref<24x4096xbf16, #tpu.memory_space<vmem>>, vector<24x2048xbf16>
    %dot_general3A_21 = arith.constant dense<0.000000e+00> : vector<1024x2048xf32>
    %dot_general3A_22 = tpu.matmul %get3A_4, %get3A_20, %dot_general3A_21 {dimension_numbers = #tpu.dot_dimension_numbers<[1], [0], [0], [1], [0, 0, 1, 1], [], []>, transpose_lhs_hint = false} : vector<1024x24xbf16>, vector<24x2048xbf16>, vector<1024x2048xf32> -> vector<1024x2048xf32>
    %bitcast_convert_type3A_23 = tpu.bitcast %dot_general3A_22 : vector<1024x2048xf32> -> vector<1024x2048xi32>
    %iota3A_24 = tpu.iota {dimensions = array<i32: 1>} : vector<1024x2048xi32>
    %add3A_25 = arith.constant 2048 : i32
    %add3A_26 = vector.broadcast %add3A_25 : i32 to vector<1024x2048xi32>
    %add3A_27 = arith.addi %iota3A_24, %add3A_26 : vector<1024x2048xi32>
    %and3A_28 = arith.constant -4096 : i32
    %and3A_29 = vector.broadcast %and3A_28 : i32 to vector<1024x2048xi32>
    %and3A_30 = arith.andi %bitcast_convert_type3A_23, %and3A_29 : vector<1024x2048xi32>
    %or3A_31 = arith.ori %and3A_30, %add3A_27 : vector<1024x2048xi32>
    %bitcast_convert_type3A_32 = tpu.bitcast %or3A_31 : vector<1024x2048xi32> -> vector<1024x2048xf32>
    %reduce_min3A_33 = arith.constant dense<0x7F800000> : vector<1024xf32>
    %reduce_min3A_34 = vector.multi_reduction <minimumf>, %bitcast_convert_type3A_32, %reduce_min3A_33 [1] : vector<1024x2048xf32> to vector<1024xf32>
    %broadcast_in_dim3A_35 = vector.shape_cast %reduce_min3A_34 : vector<1024xf32> to vector<1024x1xf32>
    %reduce_min3A_36 = arith.constant dense<0x7F800000> : vector<2048xf32>
    %reduce_min3A_37 = vector.multi_reduction <minimumf>, %bitcast_convert_type3A_32, %reduce_min3A_36 [0] : vector<1024x2048xf32> to vector<2048xf32>
    %broadcast_in_dim3A_38 = vector.shape_cast %reduce_min3A_37 : vector<2048xf32> to vector<1x2048xf32>
    %min3A = arith.minimumf %broadcast_in_dim3A, %broadcast_in_dim3A_35 : vector<1024x1xf32>
    %bitcast_convert_type3A_39 = tpu.bitcast %min3A : vector<1024x1xf32> -> vector<1024x1xi32>
    %squeeze3A = vector.shape_cast %bitcast_convert_type3A_39 : vector<1024x1xi32> to vector<1024xi32>
    %and3A_40 = arith.constant 4095 : i32
    %and3A_41 = vector.broadcast %and3A_40 : i32 to vector<1024xi32>
    %and3A_42 = arith.andi %squeeze3A, %and3A_41 : vector<1024xi32>
    %mul3A_43 = arith.constant 4096 : i32
    %mul3A_44 = arith.muli %arg0, %mul3A_43 : i32
    %add3A_45 = vector.broadcast %mul3A_44 : i32 to vector<1024xi32>
    %add3A_46 = arith.addi %and3A_42, %add3A_45 : vector<1024xi32>
    %swap3A = arith.constant 0 : index
    %swap3A_47 = arith.constant 0 : index
    %swap3A_48 = arith.constant 0 : index
    %swap3A_49 = vector.load %arg4[%swap3A, %swap3A_47, %swap3A_48] : memref<1x1x1024xi32, #tpu.memory_space<vmem>>, vector<1x1x1024xi32>
    %swap3A_50 = vector.shape_cast %swap3A_49 : vector<1x1x1024xi32> to vector<1024xi32>
    %swap3A_51 = vector.shape_cast %add3A_46 : vector<1024xi32> to vector<1x1x1024xi32>
    tpu.vector_store %arg4[%swap3A, %swap3A_47, %swap3A_48], %swap3A_51 {strides = array<i32>} : memref<1x1x1024xi32, #tpu.memory_space<vmem>>, vector<1x1x1024xi32>,
    %and3A_52 = arith.constant -4096 : i32
    %and3A_53 = vector.broadcast %and3A_52 : i32 to vector<1024x1xi32>
    %and3A_54 = arith.andi %bitcast_convert_type3A_39, %and3A_53 : vector<1024x1xi32>
    %bitcast_convert_type3A_55 = tpu.bitcast %and3A_54 : vector<1024x1xi32> -> vector<1024x1xf32>
    %concatenate3A = tpu.concatenate %broadcast_in_dim3A_17, %broadcast_in_dim3A_38 in 1 : vector<1x2048xf32>, vector<1x2048xf32> -> vector<1x4096xf32>
    %bitcast_convert_type3A_56 = tpu.bitcast %concatenate3A : vector<1x4096xf32> -> vector<1x4096xi32>
    %eq3A_57 = arith.constant 0 : i32
    %eq3A_58 = arith.cmpi eq, %arg1, %eq3A_57 : i32
    %convert_element_type3A_59 = arith.extui %eq3A_58 : i1 to i32
    %cond3A_60 = arith.constant 0 : i32
    %cond3A_61 = arith.cmpi ne, %convert_element_type3A_59, %cond3A_60 : i32
    scf.if %cond3A_61 {
      %swap3A_92 = arith.constant 0 : index
      %swap3A_93 = arith.constant 0 : index
      %swap3A_94 = vector.load %arg6[%swap3A_92, %swap3A_93] : memref<1x4096xi32, #tpu.memory_space<vmem>>, vector<1x4096xi32>
      tpu.vector_store %arg6[%swap3A_92, %swap3A_93], %bitcast_convert_type3A_56 {strides = array<i32>} : memref<1x4096xi32, #tpu.memory_space<vmem>>, vector<1x4096xi32>,
    } else {
    }
    %gt3A = arith.constant 0 : i32
    %gt3A_62 = arith.cmpi sgt, %arg1, %gt3A : i32
    %convert_element_type3A_63 = arith.extui %gt3A_62 : i1 to i32
    %cond3A_64 = arith.constant 0 : i32
    %cond3A_65 = arith.cmpi ne, %convert_element_type3A_63, %cond3A_64 : i32
    scf.if %cond3A_65 {
      %get3A_92 = arith.constant 0 : index
      %get3A_93 = arith.constant 0 : index
      %get3A_94 = vector.load %arg6[%get3A_92, %get3A_93] : memref<1x4096xi32, #tpu.memory_space<vmem>>, vector<1x4096xi32>
      %min3A_95 = arith.minsi %get3A_94, %bitcast_convert_type3A_56 : vector<1x4096xi32>
      %swap3A_96 = arith.constant 0 : index
      %swap3A_97 = arith.constant 0 : index
      %swap3A_98 = vector.load %arg6[%swap3A_96, %swap3A_97] : memref<1x4096xi32, #tpu.memory_space<vmem>>, vector<1x4096xi32>
      tpu.vector_store %arg6[%swap3A_96, %swap3A_97], %min3A_95 {strides = array<i32>} : memref<1x4096xi32, #tpu.memory_space<vmem>>, vector<1x4096xi32>,
    } else {
    }
    %eq3A_66 = arith.constant 0 : i32
    %eq3A_67 = arith.cmpi eq, %arg0, %eq3A_66 : i32
    %eq3A_68 = arith.constant 0 : i32
    %eq3A_69 = arith.cmpi eq, %arg1, %eq3A_68 : i32
    %and3A_70 = arith.andi %eq3A_67, %eq3A_69 : i1
    %convert_element_type3A_71 = arith.extui %and3A_70 : i1 to i32
    %cond3A_72 = arith.constant 0 : i32
    %cond3A_73 = arith.cmpi ne, %convert_element_type3A_71, %cond3A_72 : i32
    scf.if %cond3A_73 {
      %swap3A_92 = arith.constant 0.000000e+00 : f32
      %swap3A_93 = arith.constant 0 : index
      %swap3A_94 = arith.constant 0 : index
      %swap3A_95 = memref.load %arg5[%swap3A_93, %swap3A_94] : memref<1x2xf32, #tpu.memory_space<smem>>
      memref.store %swap3A_92, %arg5[%swap3A_93, %swap3A_94] : memref<1x2xf32, #tpu.memory_space<smem>>
      %swap3A_96 = arith.constant 0.000000e+00 : f32
      %swap3A_97 = arith.constant 0 : index
      %swap3A_98 = arith.constant 1 : index
      %swap3A_99 = memref.load %arg5[%swap3A_97, %swap3A_98] : memref<1x2xf32, #tpu.memory_space<smem>>
      memref.store %swap3A_96, %arg5[%swap3A_97, %swap3A_98] : memref<1x2xf32, #tpu.memory_space<smem>>
    } else {
    }
    %get3A_74 = arith.constant 0 : index
    %get3A_75 = arith.constant 0 : index
    %get3A_76 = memref.load %arg5[%get3A_74, %get3A_75] : memref<1x2xf32, #tpu.memory_space<smem>>
    %max3A = arith.constant 9.99999996E-13 : f32
    %max3A_77 = vector.broadcast %max3A : f32 to vector<1024x1xf32>
    %max3A_78 = arith.maximumf %bitcast_convert_type3A_55, %max3A_77 : vector<1024x1xf32>
    %sqrt3A = math.sqrt %max3A_78 : vector<1024x1xf32>
    %reduce_sum3A = vector.shape_cast %sqrt3A : vector<1024x1xf32> to vector<1x1024x1xf32>
    %reduce_sum3A_79 = arith.constant dense<0.000000e+00> : vector<1xf32>
    %reduce_sum3A_80 = vector.multi_reduction <add>, %reduce_sum3A, %reduce_sum3A_79 [1, 2] : vector<1x1024x1xf32> to vector<1xf32>
    %reduce_sum3A_81 = vector.shape_cast %reduce_sum3A_80 : vector<1xf32> to vector<1x1x1xf32>
    %reduce_sum3A_82 = vector.extract %reduce_sum3A_81[0, 0, 0] : f32 from vector<1x1x1xf32>
    %add3A_83 = arith.addf %get3A_76, %reduce_sum3A_82 : f32
    %swap3A_84 = arith.constant 0 : index
    %swap3A_85 = arith.constant 0 : index
    %swap3A_86 = memref.load %arg5[%swap3A_84, %swap3A_85] : memref<1x2xf32, #tpu.memory_space<smem>>
    memref.store %add3A_83, %arg5[%swap3A_84, %swap3A_85] : memref<1x2xf32, #tpu.memory_space<smem>>
    %eq3A_87 = arith.constant 3 : i32
    %eq3A_88 = arith.cmpi eq, %arg1, %eq3A_87 : i32
    %convert_element_type3A_89 = arith.extui %eq3A_88 : i1 to i32
    %cond3A_90 = arith.constant 0 : i32
    %cond3A_91 = arith.cmpi ne, %convert_element_type3A_89, %cond3A_90 : i32
    scf.if %cond3A_91 {
      %get3A_92 = arith.constant 0 : index
      %get3A_93 = arith.constant 0 : index
      %get3A_94 = vector.load %arg6[%get3A_92, %get3A_93] : memref<1x4096xi32, #tpu.memory_space<vmem>>, vector<1x4096xi32>
      %and3A_95 = arith.constant -4096 : i32
      %and3A_96 = vector.broadcast %and3A_95 : i32 to vector<1x4096xi32>
      %and3A_97 = arith.andi %get3A_94, %and3A_96 : vector<1x4096xi32>
      %bitcast_convert_type3A_98 = tpu.bitcast %and3A_97 : vector<1x4096xi32> -> vector<1x4096xf32>
      %get3A_99 = arith.constant 0 : index
      %get3A_100 = arith.constant 1 : index
      %get3A_101 = memref.load %arg5[%get3A_99, %get3A_100] : memref<1x2xf32, #tpu.memory_space<smem>>
      %max3A_102 = arith.constant 9.99999996E-13 : f32
      %max3A_103 = vector.broadcast %max3A_102 : f32 to vector<1x4096xf32>
      %max3A_104 = arith.maximumf %bitcast_convert_type3A_98, %max3A_103 : vector<1x4096xf32>
      %sqrt3A_105 = math.sqrt %max3A_104 : vector<1x4096xf32>
      %reduce_sum3A_106 = vector.shape_cast %sqrt3A_105 : vector<1x4096xf32> to vector<1x1x4096xf32>
      %reduce_sum3A_107 = arith.constant dense<0.000000e+00> : vector<1xf32>
      %reduce_sum3A_108 = vector.multi_reduction <add>, %reduce_sum3A_106, %reduce_sum3A_107 [1, 2] : vector<1x1x4096xf32> to vector<1xf32>
      %reduce_sum3A_109 = vector.shape_cast %reduce_sum3A_108 : vector<1xf32> to vector<1x1x1xf32>
      %reduce_sum3A_110 = vector.extract %reduce_sum3A_109[0, 0, 0] : f32 from vector<1x1x1xf32>
      %add3A_111 = arith.addf %get3A_101, %reduce_sum3A_110 : f32
      %swap3A_112 = arith.constant 0 : index
      %swap3A_113 = arith.constant 1 : index
      %swap3A_114 = memref.load %arg5[%swap3A_112, %swap3A_113] : memref<1x2xf32, #tpu.memory_space<smem>>
      memref.store %add3A_111, %arg5[%swap3A_112, %swap3A_113] : memref<1x2xf32, #tpu.memory_space<smem>>
    } else {
    }
    return
  }
  func.func @transform_0(%arg0: i32, %arg1: i32) -> (i32, i32, i32) {
    %c0_i32 = arith.constant 0 : i32
    %c0_i32_0 = arith.constant 0 : i32
    %c0_i32_1 = arith.constant 0 : i32
    return %arg0, %c0_i32, %c0_i32_0 : i32, i32, i32
  }
  func.func @transform_1(%arg0: i32, %arg1: i32) -> (i32, i32, i32) {
    %c0_i32 = arith.constant 0 : i32
    %c0_i32_0 = arith.constant 0 : i32
    %c0_i32_1 = arith.constant 0 : i32
    return %arg0, %c0_i32, %c0_i32_0 : i32, i32, i32
  }
  func.func @transform_2(%arg0: i32, %arg1: i32) -> (i32, i32, i32) {
    %mul3A = arith.constant 4 : i32
    %mul3A_0 = arith.muli %arg0, %mul3A : i32
    %add3A = arith.addi %mul3A_0, %arg1 : i32
    %c0_i32 = arith.constant 0 : i32
    %c0_i32_1 = arith.constant 0 : i32
    %c0_i32_2 = arith.constant 0 : i32
    return %add3A, %c0_i32, %c0_i32_1 : i32, i32, i32
  }
  func.func @transform_3(%arg0: i32, %arg1: i32) -> (i32, i32) {
    %c0_i32 = arith.constant 0 : i32
    %c0_i32_0 = arith.constant 0 : i32
    %c0_i32_1 = arith.constant 0 : i32
    return %c0_i32, %c0_i32_0 : i32, i32
  }
}

</mosaic_0001>

<sc_bundles>
// kernel: kernel.4.cloned.1.call-start
scs
__scs_entry_jumppad:
0x0: {  	(pc) =	sbr.rel $0x88, $3  }
0x1: {  	(tag) =	ssettag $0x0;
	lr =	simm.s32 $0x1  }
0x2: {  	[smem:$0x3F95] =	sst lr;
	_ =	strace $0xD0000000  }
0x3: {  	_ = 	snop  }
0x4: {  	_ = 	snop  }
0x5: {  	_ = 	snop  }
0x6: {  	_ = 	snop  }
0x7: {  	_ = 	snop  }
__scs_overlays_trampoline_lowered:
0x8: {  	[smem:$0x3FA4] =	sst s0  }
0x9: {  	[smem:$0x3FA5] =	sst s1  }
0xa: {  	[smem:$0x3FA6] =	sst s2  }
0xb: {  	[smem:$0x3FA7] =	sst s3  }
0xc: {  	[smem:$0x3FA8] =	sst s4  }
0xd: {  	[smem:$0x3FA9] =	sst s5  }
0xe: {  	[smem:$0x3FAA] =	sst s6  }
0xf: {  	[smem:$0x3FAB] =	sst s7  }
0x10: {  	[smem:$0x3FAC] =	sst s8  }
0x11: {  	[smem:$0x3FAD] =	sst s9;
	s0 =	simm.s32 @!p0 $0x0  }
0x12: {  	s1 =	sld [smem:$0x3F93];
	s0 =	simm.s32 @p0 $0x1  }
0x13: {  	[smem:$0x3FAE] =	sst s0;
	s0 =	simm.s32 @!p1 $0x0  }
0x14: {  	s2 =	sld [smem:$0x3F92];
	s0 =	simm.s32 @p1 $0x1  }
0x15: {  	[smem:$0x3FAF] =	sst s0;
	s0 =	simm.s32 @!p2 $0x0  }
0x16: {  	s3 =	sld [smem:$0x3FDB];
	s0 =	simm.s32 @p2 $0x1  }
0x17: {  	s4 =	simm.s32 $0x1BF5;
	[smem:$0x3FB1] =	sst s0  }
0x18: {  	s0 =	sld [smem:$0x3F94];
	_ =	swait.ge [sflag:s4], $0x0  }
0x19: {  	s7 =	sld [smem:$0x3F95]  }
0x1a: {  	s8 =	sadd.s32 $0xFFFFE003, lr  }
0x1b: {  	s9 =	sadd.s32 $0xFFFFFEF7, lr;
	s5 =	simm.s32 $0xFFFFFFFF;
	p2 =	slt.u32 s8, $0xFFFFF086  }
0x1c: {  	p1 =	slt.u32 s9, $0xF7A;
	s5 =	simm.s32 @!p2 $0x0  }
0x1d: {  	s5 =	simm.s32 @p1 $0x1;
	p0 =	seq.s32 s7, s2  }
0x1e: {  	s7 =	smul.u32 @!p0 $0xF7A, s2;
	p2 =	seq.s32 @!p0 s5, $0x0  }
0x1f: {  	s9 =	smul.u32 $0xF7A, s1;
	s8 =	simm.s32 @!p0 $0x1BF5;
	p2 =	por !p2, p0  }
0x20: {  	[sflag:s8] =	ssyncset.s32 @!p0 $0xFFFFF086;
	s6 =	sadd.s32 @!p0 s3, s7;
	s7 =	simm.s32 @!p0 $0x108  }
0x21: {  	s3 =	sadd.s32 s3, s9;
	s6 =	sadd.s32 @!p0 $0x88, s6;
	s7 =	simm.s32 @p2 $0x1082  }
0x22: {  	[simem:s7], [sflag:s8] =	dma.local @!p0 [hbm:s6], $0xF7A  }
0x23: {  	s9 =	sor.u32 $0xD0000000, s2;
	s6 =	simm.s32 $0x108;
	_ =	swait.ge @!p0 [sflag:s8], $0x0  }
0x24: {  	s3 =	sadd.s32 $0x88, s3;
	s6 =	simm.s32 @!p1 $0x1082;
	[sflag:s4] =	ssyncset.s32 $0xFFFFF086  }
0x25: {  	[simem:s6], [sflag:s4] =	dma.local [hbm:s3], $0xF7A  }
0x26: {  	[smem:$0x3F95] =	sst s1;
	(tag) =	ssettag s2;
	_ =	strace s9  }
0x27: {  	s1 =	sld [smem:$0x3FA5]  }
0x28: {  	s2 =	sld [smem:$0x3FA6]  }
0x29: {  	s4 =	sld [smem:$0x3FA8]  }
0x2a: {  	p0 =	seq.s32 s5, $0x0;
	s5 =	sld [smem:$0x3FA9]  }
0x2b: {  	s6 =	sld [smem:$0x3FAA]  }
0x2c: {  	s7 =	sld [smem:$0x3FAB]  }
0x2d: {  	s3 =	simm.s32 $0x108;
	s8 =	sld [smem:$0x3FAC]  }
0x2e: {  	s3 =	simm.s32 @!p0 $0x1082;
	s9 =	sld [smem:$0x3FAD]  }
0x2f: {  	lr =	sadd.s32 s0, s3;
	s0 =	sld [smem:$0x3FA4]  }
0x30: {  	s3 =	sld [smem:$0x3FA7]  }
0x31: {  	[smem:$0x3FB0] =	sst s10  }
0x32: {  	s10 =	sld [smem:$0x3FAE];
	_ =	sdelay $0x3  }
0x33: {  	p0 =	seq.s32 s10, $0x1;
	s10 =	sld [smem:$0x3FB0];
	_ =	sdelay $0x3  }
0x34: {  	[smem:$0x3FB0] =	sst s10  }
0x35: {  	s10 =	sld [smem:$0x3FAF];
	_ =	sdelay $0x3  }
0x36: {  	p1 =	seq.s32 s10, $0x1;
	s10 =	sld [smem:$0x3FB0];
	_ =	sdelay $0x3  }
0x37: {  	[smem:$0x3FB0] =	sst s10  }
0x38: {  	s10 =	sld [smem:$0x3FB1]  }
0x39: {  	_ = 	snop;
	(pc) =	sbr.ind lr, $3  }
0x3a: {  	_ = 	snop  }
0x3b: {  	_ = 	snop  }
0x3c: {  	p2 =	seq.s32 s10, $0x1;
	s10 =	sld [smem:$0x3FB0]  }
0x3d: {  	_ =	shalt  }
0x3e: {  	_ =	shalt  }
0x3f: {  	_ =	shalt  }
0x40: {  	_ =	shalt  }
0x41: {  	_ =	shalt  }
0x42: {  	_ =	shalt  }
0x43: {  	_ =	shalt  }
0x44: {  	_ =	shalt  }
0x45: {  	_ =	shalt  }
0x46: {  	_ =	shalt  }
0x47: {  	_ =	shalt  }
0x48: {  	_ =	shalt  }
0x49: {  	_ =	shalt  }
0x4a: {  	_ =	shalt  }
0x4b: {  	_ =	shalt  }
0x4c: {  	_ =	shalt  }
0x4d: {  	_ =	shalt  }
0x4e: {  	_ =	shalt  }
0x4f: {  	_ =	shalt  }
0x50: {  	_ =	shalt  }
0x51: {  	_ =	shalt  }
0x52: {  	_ =	shalt  }
0x53: {  	_ =	shalt  }
0x54: {  	_ =	shalt  }
0x55: {  	_ =	shalt  }
0x56: {  	_ =	shalt  }
0x57: {  	_ =	shalt  }
0x58: {  	_ =	shalt  }
0x59: {  	_ =	shalt  }
0x5a: {  	_ =	shalt  }
0x5b: {  	_ =	shalt  }
0x5c: {  	_ =	shalt  }
0x5d: {  	_ =	shalt  }
0x5e: {  	_ =	shalt  }
0x5f: {  	_ =	shalt  }
0x60: {  	_ =	shalt  }
0x61: {  	_ =	shalt  }
0x62: {  	_ =	shalt  }
0x63: {  	_ =	shalt  }
0x64: {  	_ =	shalt  }
0x65: {  	_ =	shalt  }
0x66: {  	_ =	shalt  }
0x67: {  	_ =	shalt  }
0x68: {  	_ =	shalt  }
0x69: {  	_ =	shalt  }
0x6a: {  	_ =	shalt  }
0x6b: {  	_ =	shalt  }
0x6c: {  	_ =	shalt  }
0x6d: {  	_ =	shalt  }
0x6e: {  	_ =	shalt  }
0x6f: {  	_ =	shalt  }
0x70: {  	_ =	shalt  }
0x71: {  	_ =	shalt  }
0x72: {  	_ =	shalt  }
0x73: {  	_ =	shalt  }
0x74: {  	_ =	shalt  }
0x75: {  	_ =	shalt  }
0x76: {  	_ =	shalt  }
0x77: {  	_ =	shalt  }
0x78: {  	_ =	shalt  }
0x79: {  	_ =	shalt  }
0x7a: {  	_ =	shalt  }
0x7b: {  	_ =	shalt  }
0x7c: {  	_ =	shalt  }
0x7d: {  	_ =	shalt  }
0x7e: {  	_ =	shalt  }
0x7f: {  	_ =	shalt  }
0x80: {  	_ =	shalt  }
0x81: {  	_ =	shalt  }
0x82: {  	_ =	shalt  }
0x83: {  	_ =	shalt  }
0x84: {  	_ =	shalt  }
0x85: {  	_ =	shalt  }
0x86: {  	_ =	shalt  }
0x87: {  	_ =	shalt  }
.Lfunc_end0:
.L_simem_size_0:
called_computation_lowered:
.L_overlay_start_0:
0x88: {  	s2 =	sld [smem:$0x3FD9]  }
0x89: {  	s3 =	sld [smem:$0x3FFE];
	_ =	sdelay $0x1  }
0x8a: {  	s1 =	srdreg.scid  }
0x8b: {  	s0 =	sand.u32 $0x1, s1  }
0x8c: {  	s16 =	sshll.u32 s0, $0xA;
	s2 =	sadd.s32 s3, s2  }
0x8d: {  	s2 =	sadd.s32 s2, s16  }
0x8e: {  	[smem:$0x3FBC] =	sst s2  }
0x8f: {  	_ = 	snop  }
0x90: {  	(tm) =	ssettm $0x1  }
0x91: {  	s17 =	sld [smem:$0x3FFB];
	_ =	sdelay $0x3  }
0x92: {  	_ =	strace s17  }
0x93: {  	s2 =	sld [smem:$0x3FFC];
	_ =	sdelay $0x3  }
0x94: {  	_ =	strace s2  }
0x95: {  	s2 =	sld [smem:$0x3FFD];
	_ =	sdelay $0x3  }
0x96: {  	_ =	strace s2  }
0x97: {  	_ =	strace $0x8FFFFFFF  }
0x98: {  	s18 =	sld [smem:$0x3FDB];
	_ =	sdelay $0x1  }
0x99: {  	s19 =	simm.s32 $_scs_section_size  }
0x9a: {  	s4 =	simm.s32 $_size__tile_overlayer_lowered;
	s5 =	simm.s32 $_tile_overlayer_lowered  }
0x9b: {  	s22 =	simm.s32 $0x1BFF;
	s21 =	sshll.u32 s5, $0x1;
	s2 =	sadd.s32 s19, s18  }
0x9c: {  	s6 =	simm.s32 $0x0;
	s20 =	sshll.u32 s4, $0x1;
	s4 =	sadd.s32 s21, s2  }
0x9d: {  	[timem:s6], [sflag:s22] =	dma.local [hbm:s4], s20  }
0x9e: {  	_ =	swait.ge [sflag:s22], s20  }
0x9f: {  	s3 =	ssub.s32 $0x0, s20;
	[sflag:s22] =	ssyncset.done $0x0  }
0xa0: {  	[sflag:s22] =	ssyncadd.s32 s3;
	_ =	sdelay $0x1  }
0xa1: {  	s23 =	simm.s32 $0x1B8B  }
0xa2: {  	_ =	swait.ge [sflag:s23], $0x1  }
0xa3: {  	[sflag:s23] =	ssyncset.done $0x0  }
0xa4: {  	s25 =	simm.s32 $0x1B8E;
	s24 =	sld [smem:$0x3FFE];
	[sflag:s23] =	ssyncadd.s32 $0xFFFFFFFF  }
0xa5: {  	s26 =	simm.s32 $execute0_lowered;
	[smem:$0x3FD2] =	sst s25  }
0xa6: {  	s4 =	sshll.u32 s26, $0x1;
	_ =	strace $0x80000046;
	[dreg:$0x1] =	wrdreg $0xFFFFFFFF  }
0xa7: {  	s28 =	simm.s32 $_size_execute0_lowered;
	s2 =	sadd.s32 s2, s4;
	[dreg:$0x0] =	wrdreg $0x0  }
0xa8: {  	s4 =	sshll.u32 s28, $0x1;
	[dreg:$0x2] =	wrdreg s2  }
0xa9: {  	[dreg:$0x3] =	wrdreg s4  }
0xaa: {  	[dreg:$0x4] =	wrdreg $0xC0  }
0xab: {  	_ =	task [dreg:s6], $0x5FFFF  }
0xac: {  	[dreg:$0x1] =	wrdreg $0xFFFFFFFF  }
0xad: {  	[dreg:$0x0] =	wrdreg $0x60  }
0xae: {  	[dreg:$0x2] =	wrdreg s24  }
0xaf: {  	[dreg:$0x3] =	wrdreg $0x9  }
0xb0: {  	_ =	task.clear_ibuf [dreg:s6], $0x4FFFF;
	_ =	strace $0x90000046  }
0xb1: {  	s29 =	simm.s32 $0x9;
	_ =	strace $0x80000048  }
0xb2: {  	_ =	swait.ge [sflag:s29], $0x1  }
0xb3: {  	[sflag:s29] =	ssyncadd.s32 $0xFFFFFFFF  }
0xb4: {  	_ =	strace $0x90000048  }
0xb5: {  	_ =	sfence  }
0xb6: {  	s30 =	sld [smem:$0x0];
	_ =	sdelay $0x2  }
0xb7: {  	s31 =	sshll.u32 s1, $0xD;
	s1 =	sshrl.u32 s1, $0x2  }
0xb8: {  	s3 =	sand.u32 $0x4000, s31;
	s1 =	sadd.s32 s1, s30  }
0xb9: {  	s0 =	sor.u32 s3, s0;
	s1 =	sshll.u32 s1, $0x11  }
0xba: {  	s0 =	sor.u32 s1, s0  }
0xbb: {  	s0 =	sadd.s32 $0x8F2B, s0  }
0xbc: {  	[sflag:s0] =	ssyncadd.remote.s32 $0x1  }
0xbd: {  	_ =	sfence.sel $0xFFFF  }
0xbe: {  	[dreg:$0x0] =	wrdreg $0xFFFFFFFF;
	(pc) =	sbr.abs _section_cstart, $3  }
0xbf: {  	[dreg:$0x1] =	wrdreg $0xFFFFFFFF  }
0xc0: {  	_ =	task.clear_ibuf [dreg:s6], $0x2FFFF;
	_ =	strace $0x9FFFFFFF  }
0xc1: {  	(tm) =	ssettm $0x7FFFFFFF  }
tec
execute0_lowered:
.L_overlay_start_1:
0x0: {  	(tag) =	ssettag $0x1  }
0x1: {  	s1 =	srdreg.scid  }
0x2: {  	s0 =	stileid.u32;
	s4 =	rddreg [dreg:$0x0];
	s2 =	simm.s32 $0x0  }
0x3: {  	s10 =	simm.s32 $0x80;
	s11 =	simm.s32 $0x200;
	s12 =	simm.s32 $0x2200  }
0x4: {  	s13 =	simm.s32 $0x100;
	s14 =	simm.s32 $0x4200;
	s15 =	simm.s32 $0x180  }
0x5: {  	s16 =	simm.s32 $0x6200;
	s17 =	simm.s32 $0x1;
	s18 =	simm.s32 $0x10200  }
0x6: {  	s19 =	simm.s32 $0x3;
	s5 =	sand.u32 $0x1, s1;
	s1 =	rddreg [dreg:$0x1]  }
0x7: {  	s20 =	simm.s32 $0x0;
	s3 =	sshll.u32 s0, $0x1;
	[smem:$0x7FF] =	sst s2  }
0x8: {  	s6 =	sor.u32 s5, s3;
	_ =	strace $0x80000047;
	s3 =	sadd.s32 $0x21C00, s4  }
0x9: {  	vm0 =	vcmask $0xF00;
	v0 =	vimm.f32 $2.712673680e-07;
	vm13 =	vcmask $0x1B10;
	s5 =	ssub.s32 $0x2, s5;
	s7 =	sshll.u32 s6, $0xC;
	s8 =	sshll.u32 s6, $0x6  }
0xa: {  	vm14 =	vcmask $0x1F1C;
	v1 =	vlaneseq.u32;
	v0 =	vsel vm0, $0x0, v0;
	s6 =	sshll.u32 s6, $0x1;
	s31 =	sshrl.u32 s5, $0x1;
	s7 =	sadd.s32 s7, s4  }
0xb: {  	vm15 =	vcmask $0x2B20;
	v15 =	vmul.u32 $0x40, v1;
	v0 =	vsel vm13, $0x372AAAAB, v0;
	s8 =	sadd.s32 s8, s4;
	s6 =	sadd.s32 s6, s4;
	s9 =	ssub.s32 s5, s31  }
0xc: {  	v2 =	vimm.f32 $0.0e+00;
	vm1 =	vcmask $0x1F00;
	v0 =	vsel vm14, $0x3799999A, v0;
	s4 =	sadd.s32 $0x41C00, s8;
	s5 =	sadd.s32 $0x1C00, s7;
	s6 =	sadd.s32 $0x42400, s6  }
0xd: {  	v2 =	vsel vm1, $0x3491A2B4, v2;
	[tilespmem:$0x1FFF0] =	vst v15;
	v0 =	vsel vm15, $0x36888889, v0;
	s7 =	smax.u32 s9, $0x1;
	s8 =	simm.s32 $0x8200;
	s9 =	simm.s32 $0x2  }
.LBB2_1:
0xe: {  	[tilespmem:s2], [sflag:$0x2] =	stream.linear.gather [hbm4b:s4+s2], $0x200, $0x38;
	[tilespmem:$0x10210] =	vst v63  }
0xf: {  	_ = 	snop  }
0x10: {  	[tilespmem:s8], [sflag:$0x1] =	stream.linear.gather [hbm4b:s5+s2], $0x8000, $0x38;
	[tilespmem:$0x10210] =	vst v63  }
0x11: {  	_ =	swait.ge [sflag:s9], $0x200  }
0x12: {  	[sflag:s9] =	ssyncset.done $0x0  }
0x13: {  	[sflag:s9] =	ssyncadd.s32 $0xFFFFFE00  }
0x14: {  	[tilespmem:s11], [sflag:$0x1] =	stream.indirect.gather [hbm4b:s3+s10], $0x40, s2, s10, $0xb8;
	[tilespmem:$0x10210] =	vst v63  }
0x15: {  	_ = 	snop  }
0x16: {  	[tilespmem:s12], [sflag:$0x1] =	stream.indirect.gather [hbm4b:s3+s10], $0x40, s10, s10, $0xb8;
	[tilespmem:$0x10210] =	vst v63  }
0x17: {  	_ = 	snop  }
0x18: {  	[tilespmem:s14], [sflag:$0x1] =	stream.indirect.gather [hbm4b:s3+s10], $0x40, s13, s10, $0xb8;
	[tilespmem:$0x10210] =	vst v63  }
0x19: {  	_ = 	snop  }
0x1a: {  	[tilespmem:s16], [sflag:$0x1] =	stream.indirect.gather [hbm4b:s3+s10], $0x40, s15, s10, $0xb8;
	[tilespmem:$0x10210] =	vst v63  }
0x1b: {  	_ =	swait.ge [sflag:s17], $0x8000  }
0x1c: {  	[sflag:s17] =	ssyncset.done $0x0  }
0x1d: {  	[sflag:s17] =	ssyncadd.s32 $0xFFFF8000  }
0x1e: {  	_ =	swait.ge [sflag:s17], $0x2000  }
0x1f: {  	[sflag:s17] =	ssyncset.done $0x0  }
0x20: {  	[sflag:s17] =	ssyncadd.s32 $0xFFFFE000  }
0x21: {  	_ =	swait.ge [sflag:s17], $0x2000  }
0x22: {  	[sflag:s17] =	ssyncset.done $0x0  }
0x23: {  	[sflag:s17] =	ssyncadd.s32 $0xFFFFE000  }
0x24: {  	_ =	swait.ge [sflag:s17], $0x2000  }
0x25: {  	[sflag:s17] =	ssyncset.done $0x0  }
0x26: {  	[sflag:s17] =	ssyncadd.s32 $0xFFFFE000  }
0x27: {  	_ =	swait.ge [sflag:s17], $0x2000  }
0x28: {  	v48 =	vimm.f32 $0.0e+00;
	v53 =	vimm.f32 $0.0e+00;
	[sflag:s17] =	ssyncset.done $0x0  }
0x29: {  	v17 =	vimm.f32 $0.0e+00;
	v27 =	vimm.f32 $0.0e+00;
	v26 =	vimm.f32 $0.0e+00;
	s21 =	simm.s32 $0x0;
	[sflag:s17] =	ssyncadd.s32 $0xFFFFE000  }
.LBB2_2:
0x2a: {  	s23 =	sshll.u32 s21, $0x4  }
0x2b: {  	v1 =	vmov s23;
	s23 =	sor.u32 $0x10, s23  }
0x2c: {  	v30 =	vmov s23  }
0x2d: {  	v30 =	vshll.u32 v30, $0x6  }
0x2e: {  	v30 =	vor.u32 v15, v30;
	_ =	sdelay $0x3  }
0x2f: {  	v1 =	vshll.u32 v1, $0x6  }
0x30: {  	v1 =	vor.u32 v15, v1;
	v15 =	vld.idx.msk [tilespmem:v30+s11+$0x0], $0xffff;
	_ =	sdelay $0x4  }
0x31: {  	v49 =	vor.u32 $0x1, v30;
	[tilespmem:$0x1FF60] =	vst v15;
	v15 =	vld.idx.msk [tilespmem:v30+s8+$0x0], $0xffff;
	_ =	sdelay $0x4  }
0x32: {  	[tilespmem:$0x1FF70] =	vst v15;
	v15 =	vld.idx.msk [tilespmem:v49+s11+$0x0], $0xffff;
	_ =	sdelay $0x4  }
0x33: {  	v52 =	vor.u32 $0x2, v30;
	[tilespmem:$0x1FF80] =	vst v15;
	v15 =	vld.idx.msk [tilespmem:v49+s8+$0x0], $0xffff;
	_ =	sdelay $0x4  }
0x34: {  	[tilespmem:$0x1FF90] =	vst v15;
	v15 =	vld.idx.msk [tilespmem:v52+s11+$0x0], $0xffff;
	_ =	sdelay $0x4  }
0x35: {  	v30 =	vor.u32 $0x3, v30;
	[tilespmem:$0x1FFA0] =	vst v15;
	v15 =	vld.idx.msk [tilespmem:v52+s8+$0x0], $0xffff;
	_ =	sdelay $0x4  }
0x36: {  	[tilespmem:$0x1FFB0] =	vst v15;
	v15 =	vld.idx.msk [tilespmem:v30+s11+$0x0], $0xffff;
	_ =	sdelay $0x4  }
0x37: {  	[tilespmem:$0x1FFC0] =	vst v15;
	v15 =	vld.idx.msk [tilespmem:v30+s8+$0x0], $0xffff;
	_ =	sdelay $0x3  }
0x38: {  	s22 =	sshll.u32 s21, $0xA  }
0x39: {  	[tilespmem:$0x1FFD0] =	vst v15;
	v15 =	vld [tilespmem:s22+$0x360];
	_ =	sdelay $0x4  }
0x3a: {  	[tilespmem:$0x1FD40] =	vst v15;
	v15 =	vld [tilespmem:s22+$0x370];
	_ =	sdelay $0x4  }
0x3b: {  	[tilespmem:$0x1FD50] =	vst v15;
	v15 =	vld [tilespmem:s22+$0x380];
	_ =	sdelay $0x4  }
0x3c: {  	[tilespmem:$0x1FD60] =	vst v15;
	v15 =	vld [tilespmem:s22+$0x8380];
	_ =	sdelay $0x4  }
0x3d: {  	[tilespmem:$0x1FD70] =	vst v15;
	v15 =	vld [tilespmem:s22+$0x3A0];
	_ =	sdelay $0x2  }
0x3e: {  	v6 =	vld [tilespmem:s22+$0x200]  }
0x3f: {  	v5 =	vld [tilespmem:s22+$0x210]  }
0x40: {  	[tilespmem:$0x1FD80] =	vst v15;
	v15 =	vld [tilespmem:s22+$0x83A0]  }
0x41: {  	v12 =	vld [tilespmem:s22+$0x220]  }
0x42: {  	v7 =	vld [tilespmem:s22+$0x8220]  }
0x43: {  	v14 =	vld [tilespmem:s22+$0x230]  }
0x44: {  	v9 =	vld [tilespmem:s22+$0x8230]  }
0x45: {  	[tilespmem:$0x1FD90] =	vst v15;
	v15 =	vld [tilespmem:s22+$0x3B0]  }
0x46: {  	v18 =	vld [tilespmem:s22+$0x240]  }
0x47: {  	v10 =	vld [tilespmem:s22+$0x8240]  }
0x48: {  	v11 =	vld [tilespmem:s22+$0x250]  }
0x49: {  	v8 =	vld [tilespmem:s22+$0x8250]  }
0x4a: {  	[tilespmem:$0x1FDA0] =	vst v15;
	v15 =	vld [tilespmem:s22+$0x83B0]  }
0x4b: {  	v16 =	vld [tilespmem:s22+$0x260]  }
0x4c: {  	v13 =	vld [tilespmem:s22+$0x8260]  }
0x4d: {  	v28 =	vld [tilespmem:s22+$0x270]  }
0x4e: {  	v44 =	vld [tilespmem:s22+$0x8270]  }
0x4f: {  	[tilespmem:$0x1FDB0] =	vst v15;
	v15 =	vld [tilespmem:s22+$0x3C0]  }
0x50: {  	v39 =	vld [tilespmem:s22+$0x280]  }
0x51: {  	v45 =	vld [tilespmem:s22+$0x8280]  }
0x52: {  	v54 =	vld [tilespmem:s22+$0x290]  }
0x53: {  	v22 =	vld [tilespmem:s22+$0x8290]  }
0x54: {  	[tilespmem:$0x1FDC0] =	vst v15;
	v15 =	vld [tilespmem:s22+$0x83C0]  }
0x55: {  	v23 =	vld [tilespmem:s22+$0x2A0]  }
0x56: {  	v20 =	vld [tilespmem:s22+$0x82A0]  }
0x57: {  	v21 =	vld [tilespmem:s22+$0x2B0]  }
0x58: {  	v19 =	vld [tilespmem:s22+$0x82B0]  }
0x59: {  	[tilespmem:$0x1FDD0] =	vst v15;
	v15 =	vld [tilespmem:s22+$0x3D0]  }
0x5a: {  	v37 =	vld [tilespmem:s22+$0x2C0]  }
0x5b: {  	v24 =	vld [tilespmem:s22+$0x82C0]  }
0x5c: {  	v42 =	vld [tilespmem:s22+$0x2D0]  }
0x5d: {  	v50 =	vld [tilespmem:s22+$0x82D0]  }
0x5e: {  	[tilespmem:$0x1FDE0] =	vst v15;
	v15 =	vld [tilespmem:s22+$0x83D0]  }
0x5f: {  	v33 =	vld [tilespmem:s22+$0x2E0]  }
0x60: {  	v58 =	vld [tilespmem:s22+$0x82E0]  }
0x61: {  	v61 =	vld [tilespmem:s22+$0x2F0]  }
0x62: {  	v31 =	vld.idx.msk [tilespmem:v1+s11+$0x0], $0xffff  }
0x63: {  	[tilespmem:$0x1FDF0] =	vst v15;
	v15 =	vld [tilespmem:s22+$0x3E0]  }
0x64: {  	v3 =	vor.u32 $0x1, v1;
	v4 =	vor.u32 $0x2, v1;
	v32 =	vld.idx.msk [tilespmem:v1+s8+$0x0], $0xffff;
	v1 =	vor.u32 $0x3, v1  }
0x65: {  	v25 =	vld [tilespmem:s22+$0x82F0]  }
0x66: {  	v55 =	vld [tilespmem:s22+$0x300]  }
0x67: {  	v29 =	vld [tilespmem:s22+$0x8300]  }
0x68: {  	[tilespmem:$0x1FE00] =	vst v15;
	v15 =	vld [tilespmem:s22+$0x83E0]  }
0x69: {  	v36 =	vld.idx.msk [tilespmem:v1+s11+$0x0], $0xffff  }
0x6a: {  	v1 =	vld.idx.msk [tilespmem:v1+s8+$0x0], $0xffff  }
0x6b: {  	v59 =	vld [tilespmem:s22+$0x310]  }
0x6c: {  	v51 =	vld [tilespmem:s22+$0x8310]  }
0x6d: {  	[tilespmem:$0x1FE10] =	vst v15;
	v15 =	vld [tilespmem:s22+$0x3F0]  }
0x6e: {  	v47 =	vld [tilespmem:s22+$0x320]  }
0x6f: {  	v1 =	vmul.f32 v1, v36;
	v36 =	vld [tilespmem:s22+$0x450]  }
0x70: {  	v56 =	vld [tilespmem:s22+$0x8320]  }
0x71: {  	v57 =	vld [tilespmem:s22+$0x330]  }
0x72: {  	[tilespmem:$0x1FE20] =	vst v15;
	v15 =	vld [tilespmem:s22+$0x83F0]  }
0x73: {  	v46 =	vld [tilespmem:s22+$0x8330]  }
0x74: {  	[tilespmem:$0x1FE90] =	vst v36;
	v36 =	vld [tilespmem:s22+$0x8450]  }
0x75: {  	v62 =	vld [tilespmem:s22+$0x340]  }
0x76: {  	v40 =	vld [tilespmem:s22+$0x8340]  }
0x77: {  	[tilespmem:$0x1FE30] =	vst v15;
	v15 =	vld [tilespmem:s22+$0x400]  }
0x78: {  	v34 =	vld [tilespmem:s22+$0x350]  }
0x79: {  	[tilespmem:$0x1FEA0] =	vst v36;
	v36 =	vld [tilespmem:s22+$0x8460]  }
0x7a: {  	v63 =	vld [tilespmem:s22+$0x8370]  }
0x7b: {  	v60 =	vld [tilespmem:s22+$0x390]  }
0x7c: {  	[tilespmem:$0x1FE40] =	vst v15;
	v15 =	vld [tilespmem:s22+$0x8400]  }
0x7d: {  	v58 =	vsub.f32 v33, v58;
	v33 =	vsub.f32 v47, v56;
	v56 =	vld [tilespmem:s22+$0x8550]  }
0x7e: {  	[tilespmem:$0x1FEC0] =	vst v36;
	v36 =	vld [tilespmem:s22+$0x8470]  }
0x7f: {  	v35 =	vld.idx.msk [tilespmem:v3+s11+$0x0], $0xffff  }
0x80: {  	v38 =	vld.idx.msk [tilespmem:v3+s8+$0x0], $0xffff  }
0x81: {  	[tilespmem:$0x1FE50] =	vst v15;
	v15 =	vld [tilespmem:s22+$0x410]  }
0x82: {  	v3 =	vld [tilespmem:s22+$0x8200]  }
0x83: {  	[tilespmem:$0x1FEE0] =	vst v36;
	v36 =	vld [tilespmem:s22+$0x8480]  }
0x84: {  	v47 =	vld [tilespmem:s22+$0x560]  }
0x85: {  	v41 =	vld.idx.msk [tilespmem:v4+s11+$0x0], $0xffff  }
0x86: {  	[tilespmem:$0x1FE60] =	vst v15;
	v15 =	vld [tilespmem:s22+$0x8410]  }
0x87: {  	v43 =	vld.idx.msk [tilespmem:v4+s8+$0x0], $0xffff  }
0x88: {  	v4 =	vld [tilespmem:s22+$0x8210];
	v3 =	vsub.f32 v6, v3;
	[tilespmem:$0x1FF00] =	vst v36;
	v36 =	vsub.f32 v14, v9  }
0x89: {  	v31 =	vmul.f32 v32, v31;
	v32 =	vld [tilespmem:s22+$0x8420]  }
0x8a: {  	v3 =	vand.u32 $0x7FFFFFFF, v3;
	v6 =	vand.u32 $0x7FFFFFFF, v36;
	v36 =	vld [tilespmem:s22+$0x84A0]  }
0x8b: {  	v3 =	vmul.f32 v0, v3;
	[tilespmem:$0x1FE70] =	vst v15;
	v15 =	vld [tilespmem:s22+$0x420]  }
0x8c: {  	v35 =	vmul.f32 v38, v35;
	v38 =	vld [tilespmem:s22+$0x430]  }
0x8d: {  	v3 =	vadd.f32 v3, v26;
	v26 =	vld [tilespmem:s22+$0x84C0]  }
0x8e: {  	v49 =	vld [tilespmem:s22+$0x8390]  }
0x8f: {  	v6 =	vmul.f32 v2, v6;
	[tilespmem:$0x1FF20] =	vst v36;
	v36 =	vld [tilespmem:s22+$0x84B0]  }
0x90: {  	v52 =	vld [tilespmem:s22+$0x8360];
	[tilespmem:$0x1FE80] =	vst v15;
	v15 =	vadd.f32 $0.0e+00, v31  }
0x91: {  	v30 =	vld [tilespmem:s22+$0x8350];
	v6 =	vadd.f32 v6, v53  }
0x92: {  	v53 =	vsub.f32 v39, v45;
	v45 =	vld [tilespmem:s22+$0x4E0];
	v15 =	vadd.f32 v35, v15;
	v35 =	vmul.f32 v43, v41  }
0x93: {  	v39 =	vsub.f32 v54, v22;
	v54 =	vld [tilespmem:s22+$0x84E0]  }
0x94: {  	[tilespmem:$0x1FF40] =	vst v36;
	v36 =	vld [tilespmem:s22+$0x4D0];
	v15 =	vadd.f32 v35, v15  }
0x95: {  	v14 =	vld [tilespmem:$0x1FD80]  }
0x96: {  	v9 =	vsub.f32 v16, v13;
	v16 =	vld [tilespmem:$0x1FD90];
	v1 =	vadd.f32 v1, v15  }
0x97: {  	v13 =	vsub.f32 v60, v49;
	v49 =	vld [tilespmem:$0x1FE30]  }
0x98: {  	v60 =	vld [tilespmem:$0x1FE70];
	v1 =	vand.u32 $0x7FFFFFFF, v1  }
0x99: {  	v31 =	vld [tilespmem:s22+$0x8430];
	v1 =	vsub.f32 $1.000000000e+00, v1  }
0x9a: {  	v41 =	vld [tilespmem:s22+$0x440]  }
0x9b: {  	v35 =	vld [tilespmem:s22+$0x470];
	v1 =	vadd.f32 v1, v48;
	v48 =	vsub.f32 v12, v7  }
0x9c: {  	v15 =	vld [tilespmem:s22+$0x460]  }
0x9d: {  	v4 =	vsub.f32 v5, v4;
	v5 =	vand.u32 $0x7FFFFFFF, v48;
	v48 =	vld [tilespmem:s22+$0x4A0]  }
0x9e: {  	s23 =	sshll.u32 s23, $0x6;
	v43 =	vld [tilespmem:s22+$0x8440]  }
0x9f: {  	v38 =	vsub.f32 v38, v31;
	v31 =	vld [tilespmem:s23+$0x8220]  }
0xa0: {  	[tilespmem:$0x1FED0] =	vst v35;
	v35 =	vld [tilespmem:s22+$0x480]  }
0xa1: {  	v14 =	vsub.f32 v14, v16;
	[tilespmem:$0x1FEB0] =	vst v15;
	v15 =	vld [tilespmem:s22+$0x8570]  }
0xa2: {  	v8 =	vsub.f32 v11, v8;
	v7 =	vsub.f32 v18, v10;
	[tilespmem:$0x1FF10] =	vst v48;
	v48 =	vld [tilespmem:s22+$0x4B0]  }
0xa3: {  	v4 =	vand.u32 $0x7FFFFFFF, v4;
	v14 =	vand.u32 $0x7FFFFFFF, v14;
	v12 =	vsub.f32 v34, v30;
	v34 =	vld [tilespmem:$0x1FDB0]  }
0xa4: {  	v30 =	vmul.f32 $2.712673680e-07, v14;
	v14 =	vld [tilespmem:$0x1FDD0];
	[tilespmem:$0x1FFE0] =	vst v1;
	v1 =	vmul.f32 $2.712673680e-07, v4;
	v7 =	vand.u32 $0x7FFFFFFF, v7  }
0xa5: {  	v8 =	vand.u32 $0x7FFFFFFF, v8;
	v4 =	vld [tilespmem:s22+$0x490];
	v5 =	vmul.f32 $2.712673680e-07, v5;
	v7 =	vmul.f32 v0, v7  }
0xa6: {  	v8 =	vmul.f32 $2.712673680e-07, v8;
	v9 =	vand.u32 $0x7FFFFFFF, v9;
	[tilespmem:$0x1FEF0] =	vst v35;
	v35 =	vld [tilespmem:s22+$0x8490];
	v1 =	vadd.f32 v1, v27  }
0xa7: {  	v9 =	vmul.f32 $2.712673680e-07, v9;
	v5 =	vadd.f32 v5, v17;
	v3 =	vadd.f32 v7, v3;
	[tilespmem:$0x1FF30] =	vst v48;
	v48 =	vld [tilespmem:s22+$0x4C0]  }
0xa8: {  	v27 =	vld [tilespmem:s22+$0x4F0];
	v7 =	vsub.f32 v28, v44;
	v1 =	vadd.f32 v8, v1;
	v8 =	vand.u32 $0x7FFFFFFF, v53  }
0xa9: {  	v44 =	vld [tilespmem:s22+$0x84D0];
	v53 =	vsub.f32 v42, v50;
	v8 =	vmul.f32 v0, v8  }
0xaa: {  	v28 =	vld [tilespmem:s22+$0x500];
	v5 =	vadd.f32 v9, v5;
	v7 =	vand.u32 $0x7FFFFFFF, v7;
	v9 =	vand.u32 $0x7FFFFFFF, v39  }
0xab: {  	v17 =	vld [tilespmem:s22+$0x8530];
	v7 =	vmul.f32 v2, v7;
	v9 =	vmul.f32 $2.712673680e-07, v9;
	v3 =	vadd.f32 v8, v3  }
0xac: {  	v42 =	vld [tilespmem:s22+$0x510];
	v8 =	vand.u32 $0x7FFFFFFF, v53;
	v53 =	vsub.f32 v62, v40;
	[tilespmem:$0x1FF50] =	vst v48;
	v48 =	vsub.f32 v23, v20  }
0xad: {  	v50 =	vld [tilespmem:s22+$0x8510];
	v6 =	vadd.f32 v7, v6;
	v20 =	vsub.f32 v21, v19  }
0xae: {  	v39 =	vld [tilespmem:s22+$0x84F0];
	v1 =	vadd.f32 v9, v1;
	v8 =	vmul.f32 $2.712673680e-07, v8;
	v10 =	vand.u32 $0x7FFFFFFF, v48  }
0xaf: {  	v62 =	vld [tilespmem:s22+$0x570];
	v22 =	vand.u32 $0x7FFFFFFF, v20;
	v48 =	vsub.f32 v37, v24;
	v21 =	vmul.f32 $2.712673680e-07, v10  }
0xb0: {  	v40 =	vld [tilespmem:$0x1FDC0];
	v9 =	vand.u32 $0x7FFFFFFF, v58;
	v1 =	vadd.f32 v8, v1;
	v23 =	vmul.f32 v2, v22  }
0xb1: {  	v58 =	vld [tilespmem:s22+$0x8520];
	v7 =	vand.u32 $0x7FFFFFFF, v48;
	v5 =	vadd.f32 v21, v5;
	v21 =	vsub.f32 v55, v29  }
0xb2: {  	v8 =	vld [tilespmem:s22+$0x8540];
	v6 =	vadd.f32 v23, v6;
	v7 =	vmul.f32 v0, v7;
	v23 =	vsub.f32 v59, v51  }
0xb3: {  	v37 =	vld [tilespmem:s22+$0x8500];
	v20 =	vsub.f32 v61, v25;
	v11 =	vand.u32 $0x7FFFFFFF, v21  }
0xb4: {  	v61 =	vld [tilespmem:s22+$0x530];
	v3 =	vadd.f32 v7, v3;
	v7 =	vand.u32 $0x7FFFFFFF, v23;
	v22 =	vmul.f32 v0, v11  }
0xb5: {  	v24 =	vld [tilespmem:s22+$0x580];
	v10 =	vand.u32 $0x7FFFFFFF, v20;
	v7 =	vmul.f32 $2.712673680e-07, v7;
	v11 =	vand.u32 $0x7FFFFFFF, v53  }
0xb6: {  	v48 =	vld [tilespmem:s22+$0x520];
	v20 =	vand.u32 $0x7FFFFFFF, v12;
	v59 =	vmul.f32 v0, v11;
	v3 =	vadd.f32 v22, v3  }
0xb7: {  	v12 =	vld [tilespmem:$0x1FD70];
	v21 =	vmul.f32 $2.712673680e-07, v20;
	v1 =	vadd.f32 v7, v1  }
0xb8: {  	v7 =	vadd.f32 v59, v3;
	v3 =	vld [tilespmem:$0x1FD40]  }
0xb9: {  	v22 =	vadd.f32 v21, v1;
	v1 =	vld [tilespmem:$0x1FD50]  }
0xba: {  	v9 =	vmul.f32 $2.712673680e-07, v9;
	v55 =	vld [tilespmem:s22+$0x540]  }
0xbb: {  	v10 =	vmul.f32 v2, v10;
	v51 =	vsub.f32 v57, v46;
	v46 =	vld [tilespmem:s22+$0x550]  }
0xbc: {  	v13 =	vand.u32 $0x7FFFFFFF, v13;
	v57 =	vld [tilespmem:s22+$0x8560];
	v5 =	vadd.f32 v9, v5  }
0xbd: {  	v6 =	vadd.f32 v10, v6;
	v9 =	vand.u32 $0x7FFFFFFF, v33;
	v23 =	vld [tilespmem:$0x1FD60];
	v3 =	vsub.f32 v3, v52  }
0xbe: {  	v29 =	vld [tilespmem:s22+$0x5C0];
	v10 =	vand.u32 $0x7FFFFFFF, v51;
	v9 =	vmul.f32 $2.712673680e-07, v9;
	v1 =	vsub.f32 v1, v63  }
0xbf: {  	v13 =	vmul.f32 $2.712673680e-07, v13;
	v51 =	vld [tilespmem:s22+$0x5B0];
	v10 =	vmul.f32 v2, v10;
	v3 =	vand.u32 $0x7FFFFFFF, v3  }
0xc0: {  	v33 =	vld [tilespmem:$0x1FDA0];
	v9 =	vadd.f32 v9, v5;
	v16 =	vmul.f32 $2.712673680e-07, v3;
	v3 =	vand.u32 $0x7FFFFFFF, v1  }
0xc1: {  	v61 =	vsub.f32 v61, v17;
	v17 =	vld [tilespmem:s22+$0x86B0];
	v6 =	vadd.f32 v10, v6;
	v18 =	vmul.f32 v2, v3  }
0xc2: {  	v53 =	vld [tilespmem:s22+$0x5D0];
	v12 =	vsub.f32 v23, v12;
	v9 =	vadd.f32 v16, v9  }
0xc3: {  	v10 =	vadd.f32 v13, v22;
	v16 =	vadd.f32 v18, v6;
	v18 =	vld [tilespmem:$0x1FDF0]  }
0xc4: {  	v13 =	vadd.f32 v30, v9;
	v9 =	vsub.f32 v40, v14;
	v14 =	vld [tilespmem:$0x1FDE0]  }
0xc5: {  	v11 =	vld [tilespmem:s22+$0x590];
	v3 =	vand.u32 $0x7FFFFFFF, v12  }
0xc6: {  	v5 =	vld [tilespmem:s22+$0x8580];
	v19 =	vmul.f32 v0, v3  }
0xc7: {  	v46 =	vsub.f32 v46, v56;
	v56 =	vsub.f32 v62, v15;
	v15 =	vld [tilespmem:s22+$0x86E0]  }
0xc8: {  	v7 =	vadd.f32 v19, v7;
	v19 =	vld [tilespmem:$0x1FE10]  }
0xc9: {  	v14 =	vsub.f32 v14, v18;
	v18 =	vld [tilespmem:$0x1FE00]  }
0xca: {  	v59 =	vld [tilespmem:s22+$0x85B0]  }
0xcb: {  	v63 =	vld [tilespmem:s22+$0x85D0]  }
0xcc: {  	v1 =	vld [tilespmem:s22+$0x8590]  }
0xcd: {  	v12 =	vld [tilespmem:s22+$0x5A0]  }
0xce: {  	v6 =	vsub.f32 v33, v34;
	v18 =	vsub.f32 v18, v19;
	v19 =	vld [tilespmem:$0x1FE20]  }
0xcf: {  	v3 =	vld [tilespmem:s22+$0x85A0]  }
0xd0: {  	v34 =	vld [tilespmem:s22+$0x85C0];
	v6 =	vand.u32 $0x7FFFFFFF, v6  }
0xd1: {  	v52 =	vmul.f32 v2, v6;
	v6 =	vld [tilespmem:s22+$0x5E0]  }
0xd2: {  	v30 =	vand.u32 $0x7FFFFFFF, v9;
	v9 =	vld [tilespmem:s22+$0x85E0]  }
0xd3: {  	v16 =	vadd.f32 v52, v16;
	v52 =	vld [tilespmem:$0x1FE50];
	v19 =	vsub.f32 v19, v49  }
0xd4: {  	v33 =	vand.u32 $0x7FFFFFFF, v14;
	v14 =	vmul.f32 v0, v30;
	v30 =	vld [tilespmem:$0x1FE80];
	v49 =	vand.u32 $0x7FFFFFFF, v18  }
0xd5: {  	v40 =	vmul.f32 $2.712673680e-07, v33;
	v33 =	vld [tilespmem:s23+$0x200];
	v18 =	vmul.f32 $2.712673680e-07, v49;
	v19 =	vand.u32 $0x7FFFFFFF, v19  }
0xd6: {  	v7 =	vadd.f32 v14, v7;
	v14 =	vld [tilespmem:s22+$0x5F0];
	v19 =	vmul.f32 v2, v19  }
0xd7: {  	v13 =	vadd.f32 v18, v13;
	v18 =	vld [tilespmem:$0x1FE40]  }
0xd8: {  	v16 =	vadd.f32 v19, v16;
	v19 =	vld [tilespmem:$0x1FE60]  }
0xd9: {  	v21 =	vand.u32 $0x7FFFFFFF, v38;
	v10 =	vadd.f32 v40, v10;
	v40 =	vsub.f32 v41, v43;
	v41 =	vld [tilespmem:$0x1FE90]  }
0xda: {  	v38 =	vmul.f32 v2, v21;
	v49 =	vld [tilespmem:s23+$0x8200]  }
0xdb: {  	v20 =	vsub.f32 v30, v32;
	v32 =	vand.u32 $0x7FFFFFFF, v40;
	v40 =	vld [tilespmem:$0x1FEC0]  }
0xdc: {  	v16 =	vadd.f32 v38, v16;
	v38 =	vld [tilespmem:$0x1FEB0];
	v18 =	vsub.f32 v18, v52  }
0xdd: {  	v43 =	vld [tilespmem:$0x1FEA0];
	v19 =	vsub.f32 v19, v60  }
0xde: {  	v30 =	vld [tilespmem:s23+$0x8210];
	v18 =	vand.u32 $0x7FFFFFFF, v18  }
0xdf: {  	v33 =	vsub.f32 v33, v49;
	v49 =	vld [tilespmem:s22+$0x8760];
	v18 =	vmul.f32 v0, v18;
	v19 =	vand.u32 $0x7FFFFFFF, v19  }
0xe0: {  	v20 =	vand.u32 $0x7FFFFFFF, v20;
	v52 =	vld [tilespmem:s23+$0x220];
	v19 =	vmul.f32 $2.712673680e-07, v19  }
0xe1: {  	v21 =	vsub.f32 v38, v40;
	v38 =	vld [tilespmem:$0x1FEF0];
	v7 =	vadd.f32 v18, v7;
	v18 =	vmul.f32 $2.712673680e-07, v20  }
0xe2: {  	v20 =	vld [tilespmem:s23+$0x8230];
	v19 =	vadd.f32 v19, v10  }
0xe3: {  	v10 =	vsub.f32 v41, v43;
	v18 =	vadd.f32 v18, v13;
	v13 =	vmul.f32 v0, v32;
	v41 =	vld [tilespmem:$0x1FED0]  }
0xe4: {  	v32 =	vld [tilespmem:$0x1FEE0]  }
0xe5: {  	v23 =	vadd.f32 v13, v7;
	v13 =	vld [tilespmem:$0x1FF00]  }
0xe6: {  	v43 =	vld [tilespmem:s23+$0x230]  }
0xe7: {  	v60 =	vld [tilespmem:s23+$0x210]  }
0xe8: {  	v7 =	vld [tilespmem:s22+$0x8640]  }
0xe9: {  	s24 =	sor.u32 $0x650, s22;
	v10 =	vand.u32 $0x7FFFFFFF, v10;
	v22 =	vsub.f32 v41, v32;
	v41 =	vld [tilespmem:s22+$0x85F0]  }
0xea: {  	v32 =	vmul.f32 $2.712673680e-07, v10;
	v10 =	vld [tilespmem:s24+$0x0];
	v25 =	vsub.f32 v38, v13  }
0xeb: {  	s31 =	sor.u32 $0x640, s22;
	v4 =	vsub.f32 v4, v35;
	v20 =	vsub.f32 v43, v20;
	v43 =	vld [tilespmem:s22+$0x8780]  }
0xec: {  	v39 =	vsub.f32 v27, v39;
	v40 =	vand.u32 $0x7FFFFFFF, v21;
	v13 =	vld [tilespmem:s31+$0x0];
	v25 =	vand.u32 $0x7FFFFFFF, v25  }
0xed: {  	v38 =	vmul.f32 $2.712673680e-07, v40;
	v19 =	vadd.f32 v32, v19;
	v32 =	vld [tilespmem:$0x1FF10];
	v40 =	vmul.f32 v0, v25  }
0xee: {  	v37 =	vsub.f32 v28, v37;
	v28 =	vand.u32 $0x7FFFFFFF, v39;
	v35 =	vand.u32 $0x7FFFFFFF, v22;
	v22 =	vld [tilespmem:$0x1FF30]  }
0xef: {  	s31 =	sor.u32 $0x6B0, s22;
	v21 =	vmul.f32 v2, v35;
	v35 =	vadd.f32 v38, v18;
	v38 =	vadd.f32 v40, v23;
	v40 =	vld [tilespmem:$0x1FF20]  }
0xf0: {  	s25 =	sor.u32 $0x660, s22;
	v39 =	vmul.f32 v2, v28;
	v28 =	vld [tilespmem:s31+$0x0]  }
0xf1: {  	v4 =	vand.u32 $0x7FFFFFFF, v4;
	v18 =	vld [tilespmem:s25+$0x0]  }
0xf2: {  	v4 =	vmul.f32 $2.712673680e-07, v4;
	v25 =	vld [tilespmem:s22+$0x8650]  }
0xf3: {  	v16 =	vadd.f32 v21, v16;
	v23 =	vld [tilespmem:s22+$0x8660]  }
0xf4: {  	v21 =	vsub.f32 v32, v40;
	v40 =	vadd.f32 v4, v19;
	v19 =	vld [tilespmem:$0x1FF40]  }
0xf5: {  	v32 =	vld [tilespmem:$0x1FF50]  }
0xf6: {  	v17 =	vsub.f32 v28, v17;
	v28 =	vld [tilespmem:s22+$0x87E0]  }
0xf7: {  	s26 =	sor.u32 $0x670, s22;
	v10 =	vsub.f32 v10, v25;
	v25 =	vld [tilespmem:s22+$0x8790]  }
0xf8: {  	v4 =	vld [tilespmem:s26+$0x0]  }
0xf9: {  	v18 =	vsub.f32 v18, v23;
	v23 =	vld [tilespmem:s22+$0x87A0];
	v19 =	vsub.f32 v22, v19  }
0xfa: {  	s28 =	sor.u32 $0x680, s22;
	v22 =	vsub.f32 v32, v26;
	v26 =	vsub.f32 v36, v44;
	v44 =	vand.u32 $0x7FFFFFFF, v21;
	v21 =	vld [tilespmem:s22+$0x8670]  }
0xfb: {  	v36 =	vsub.f32 v45, v54;
	v32 =	vmul.f32 $2.712673680e-07, v44;
	v54 =	vand.u32 $0x7FFFFFFF, v19;
	v19 =	vld [tilespmem:s28+$0x0]  }
0xfc: {  	s29 =	sor.u32 $0x690, s22;
	v45 =	vand.u32 $0x7FFFFFFF, v22;
	v26 =	vand.u32 $0x7FFFFFFF, v26;
	v22 =	vld [tilespmem:s22+$0x8680];
	v44 =	vmul.f32 v2, v54  }
0xfd: {  	v54 =	vadd.f32 v32, v35;
	v35 =	vmul.f32 v0, v45;
	v45 =	vmul.f32 $2.712673680e-07, v26;
	v26 =	vld [tilespmem:s29+$0x0]  }
0xfe: {  	s30 =	sor.u32 $0x6A0, s22;
	v27 =	vand.u32 $0x7FFFFFFF, v36;
	v32 =	vld [tilespmem:s22+$0x8690]  }
0xff: {  	v58 =	vsub.f32 v48, v58;
	v40 =	vadd.f32 v45, v40;
	v45 =	vmul.f32 $2.712673680e-07, v27;
	v27 =	vld [tilespmem:s30+$0x0]  }
0x100: {  	v36 =	vadd.f32 v35, v38;
	v35 =	vld [tilespmem:s22+$0x86A0]  }
0x101: {  	v42 =	vsub.f32 v42, v50;
	s29 =	sor.u32 $0x700, s22;
	v38 =	vand.u32 $0x7FFFFFFF, v58;
	v58 =	vsub.f32 v11, v1;
	v1 =	vld [tilespmem:s22+$0x86F0]  }
0x102: {  	v11 =	vld [tilespmem:s29+$0x0]  }
0x103: {  	v42 =	vand.u32 $0x7FFFFFFF, v42;
	v37 =	vand.u32 $0x7FFFFFFF, v37;
	s25 =	sor.u32 $0x6D0, s22;
	v4 =	vsub.f32 v4, v21;
	v21 =	vld [tilespmem:s22+$0x87B0]  }
0x104: {  	v8 =	vsub.f32 v55, v8;
	s24 =	sor.u32 $0x6C0, s22;
	v16 =	vadd.f32 v44, v16;
	v55 =	vmul.f32 $2.712673680e-07, v38;
	v38 =	vld [tilespmem:s25+$0x0]  }
0x105: {  	v42 =	vmul.f32 $2.712673680e-07, v42;
	v44 =	vadd.f32 v45, v54;
	v54 =	vmul.f32 v0, v37;
	v37 =	vld [tilespmem:s24+$0x0]  }
0x106: {  	v16 =	vadd.f32 v39, v16;
	v39 =	vld [tilespmem:s22+$0x86C0]  }
0x107: {  	v47 =	vsub.f32 v47, v57;
	v57 =	vand.u32 $0x7FFFFFFF, v56;
	v42 =	vadd.f32 v42, v40;
	v40 =	vld [tilespmem:s22+$0x86D0]  }
0x108: {  	v45 =	vand.u32 $0x7FFFFFFF, v61;
	v61 =	vmul.f32 v2, v57;
	v57 =	vld [tilespmem:$0x1FF60]  }
0x109: {  	v8 =	vand.u32 $0x7FFFFFFF, v8;
	v46 =	vand.u32 $0x7FFFFFFF, v46;
	v62 =	vand.u32 $0x7FFFFFFF, v58;
	v58 =	vld [tilespmem:$0x1FF70]  }
0x10a: {  	v46 =	vmul.f32 $2.712673680e-07, v46;
	v5 =	vsub.f32 v24, v5;
	v26 =	vsub.f32 v26, v32;
	v32 =	vld [tilespmem:s22+$0x800]  }
0x10b: {  	v24 =	vand.u32 $0x7FFFFFFF, v47;
	s30 =	sor.u32 $0x710, s22;
	v36 =	vadd.f32 v54, v36;
	v54 =	vsub.f32 v12, v3;
	v3 =	vld [tilespmem:s22+$0x8700]  }
0x10c: {  	v5 =	vand.u32 $0x7FFFFFFF, v5;
	v45 =	vmul.f32 v2, v45;
	v47 =	vmul.f32 $2.712673680e-07, v62;
	v12 =	vld [tilespmem:s30+$0x0]  }
0x10d: {  	s26 =	sor.u32 $0x6E0, s22;
	v62 =	vsub.f32 v51, v59;
	v44 =	vadd.f32 v55, v44;
	v55 =	vmul.f32 v0, v5;
	v5 =	vld [tilespmem:s22+$0x8710]  }
0x10e: {  	v8 =	vmul.f32 v0, v8;
	v45 =	vadd.f32 v45, v16;
	v16 =	vld [tilespmem:s26+$0x0]  }
0x10f: {  	s28 =	sor.u32 $0x6F0, s22;
	v42 =	vadd.f32 v46, v42;
	v59 =	vand.u32 $0x7FFFFFFF, v62;
	v62 =	vld [tilespmem:$0x1FFB0]  }
0x110: {  	v24 =	vmul.f32 $2.712673680e-07, v24;
	s31 =	sor.u32 $0x720, s22;
	v36 =	vadd.f32 v8, v36;
	v8 =	vld [tilespmem:s28+$0x0]  }
0x111: {  	v47 =	vadd.f32 v47, v42;
	v42 =	vld [tilespmem:s31+$0x0]  }
0x112: {  	v24 =	vadd.f32 v24, v44;
	v56 =	vand.u32 $0x7FFFFFFF, v54;
	v44 =	vld [tilespmem:s22+$0x8730]  }
0x113: {  	v46 =	vadd.f32 v61, v45;
	v61 =	vmul.f32 $2.712673680e-07, v56;
	v56 =	vld [tilespmem:$0x1FF80]  }
0x114: {  	v48 =	vmul.f32 v58, v57;
	v57 =	vld [tilespmem:$0x1FF90]  }
0x115: {  	s31 =	sor.u32 $0x790, s22;
	v45 =	vld [tilespmem:s22+$0x8720]  }
0x116: {  	v7 =	vsub.f32 v13, v7;
	v13 =	vld [tilespmem:s31+$0x0]  }
0x117: {  	v31 =	vsub.f32 v52, v31;
	s24 =	sor.u32 $0x730, s22;
	v52 =	vsub.f32 v38, v40;
	v38 =	vld [tilespmem:s22+$0x860]  }
0x118: {  	v54 =	vadd.f32 v61, v24;
	v24 =	vld [tilespmem:s24+$0x0]  }
0x119: {  	v61 =	vld [tilespmem:$0x1FFA0]  }
0x11a: {  	v29 =	vsub.f32 v29, v34;
	v3 =	vsub.f32 v11, v3;
	v11 =	vld [tilespmem:s22+$0x8810]  }
0x11b: {  	v5 =	vsub.f32 v12, v5;
	v12 =	vld [tilespmem:s22+$0x820]  }
0x11c: {  	v29 =	vand.u32 $0x7FFFFFFF, v29;
	v36 =	vadd.f32 v55, v36;
	v55 =	vand.u32 $0x7FFFFFFF, v52;
	v52 =	vld [tilespmem:s22+$0x88A0]  }
0x11d: {  	v29 =	vmul.f32 v0, v29;
	v33 =	vand.u32 $0x7FFFFFFF, v33;
	v15 =	vsub.f32 v16, v15;
	v16 =	vld [tilespmem:s22+$0x8800]  }
0x11e: {  	v33 =	vmul.f32 v0, v33;
	v30 =	vsub.f32 v60, v30;
	s25 =	sor.u32 $0x740, s22;
	v1 =	vsub.f32 v8, v1;
	v8 =	vld [tilespmem:s22+$0x810]  }
0x11f: {  	v29 =	vadd.f32 v29, v36;
	v51 =	vmul.f32 v57, v56;
	v57 =	vsub.f32 v6, v9;
	v6 =	vld [tilespmem:s25+$0x0]  }
0x120: {  	v63 =	vsub.f32 v53, v63;
	v48 =	vadd.f32 $0.0e+00, v48;
	s24 =	sor.u32 $0x7A0, s22;
	v9 =	vld [tilespmem:s22+$0x8740]  }
0x121: {  	v31 =	vand.u32 $0x7FFFFFFF, v31;
	v30 =	vand.u32 $0x7FFFFFFF, v30;
	v29 =	vadd.f32 v33, v29;
	v33 =	vld [tilespmem:s24+$0x0]  }
0x122: {  	v7 =	vand.u32 $0x7FFFFFFF, v7;
	s26 =	sor.u32 $0x750, s22;
	v58 =	vadd.f32 v51, v48;
	v48 =	vmul.f32 v2, v59;
	v59 =	vld [tilespmem:$0x1FFD0]  }
0x123: {  	v7 =	vmul.f32 v0, v7;
	v50 =	vmul.f32 v62, v61;
	v61 =	vsub.f32 v14, v41;
	v14 =	vld [tilespmem:s26+$0x0]  }
0x124: {  	v31 =	vmul.f32 $2.712673680e-07, v31;
	v30 =	vmul.f32 $2.712673680e-07, v30;
	v41 =	vld [tilespmem:s22+$0x8750]  }
0x125: {  	v19 =	vsub.f32 v19, v22;
	v62 =	vand.u32 $0x7FFFFFFF, v63;
	v7 =	vadd.f32 v7, v29;
	v29 =	vld [tilespmem:s22+$0x87C0]  }
0x126: {  	v20 =	vand.u32 $0x7FFFFFFF, v20;
	v63 =	vand.u32 $0x7FFFFFFF, v57;
	v56 =	vmul.f32 $2.712673680e-07, v62;
	v62 =	vld [tilespmem:s22+$0x8770]  }
0x127: {  	v20 =	vmul.f32 v2, v20;
	v19 =	vand.u32 $0x7FFFFFFF, v19;
	v57 =	vmul.f32 $2.712673680e-07, v63;
	v63 =	vld [tilespmem:$0x1FFE0]  }
0x128: {  	v19 =	vmul.f32 v0, v19;
	v27 =	vsub.f32 v27, v35;
	s28 =	sor.u32 $0x760, s22;
	v34 =	vadd.f32 v50, v58;
	v58 =	vld [tilespmem:$0x1FFC0]  }
0x129: {  	v17 =	vand.u32 $0x7FFFFFFF, v17;
	v10 =	vand.u32 $0x7FFFFFFF, v10;
	v48 =	vadd.f32 v48, v46;
	v46 =	vld [tilespmem:s28+$0x0]  }
0x12a: {  	v7 =	vadd.f32 v19, v7;
	v19 =	vand.u32 $0x7FFFFFFF, v27;
	v27 =	vsub.f32 v37, v39;
	v37 =	vld [tilespmem:s22+$0x870]  }
0x12b: {  	v10 =	vmul.f32 $2.712673680e-07, v10;
	v8 =	vsub.f32 v8, v11;
	v11 =	vld [tilespmem:s22+$0x8D0];
	v36 =	vadd.f32 v56, v47  }
0x12c: {  	v17 =	vmul.f32 v2, v17;
	v18 =	vand.u32 $0x7FFFFFFF, v18;
	s25 =	sor.u32 $0x7B0, s22;
	v6 =	vsub.f32 v6, v9;
	v9 =	vld [tilespmem:s22+$0x8840]  }
0x12d: {  	v18 =	vmul.f32 $2.712673680e-07, v18;
	s29 =	sor.u32 $0x770, s22;
	v4 =	vand.u32 $0x7FFFFFFF, v4;
	v30 =	vadd.f32 v30, v36;
	v36 =	vld [tilespmem:s25+$0x0]  }
0x12e: {  	v4 =	vmul.f32 v2, v4;
	s28 =	sor.u32 $0x7D0, s22;
	v50 =	vmul.f32 v59, v58;
	v58 =	vand.u32 $0x7FFFFFFF, v61;
	v61 =	vld [tilespmem:s29+$0x0]  }
0x12f: {  	v26 =	vand.u32 $0x7FFFFFFF, v26;
	v3 =	vand.u32 $0x7FFFFFFF, v3;
	v10 =	vadd.f32 v10, v30;
	v30 =	vld [tilespmem:s28+$0x0]  }
0x130: {  	v5 =	vand.u32 $0x7FFFFFFF, v5;
	v59 =	vmul.f32 v2, v58;
	v58 =	vsub.f32 v24, v44;
	v24 =	vld [tilespmem:s22+$0x8850]  }
0x131: {  	v34 =	vadd.f32 v50, v34;
	v50 =	vadd.f32 v57, v54;
	v54 =	vand.u32 $0x7FFFFFFF, v27;
	v27 =	vld [tilespmem:s22+$0x87F0]  }
0x132: {  	v15 =	vand.u32 $0x7FFFFFFF, v15;
	v47 =	vadd.f32 v59, v48;
	v59 =	vsub.f32 v14, v41;
	v14 =	vld [tilespmem:s22+$0x850]  }
0x133: {  	v3 =	vmul.f32 v0, v3;
	v15 =	vmul.f32 $2.712673680e-07, v15;
	s29 =	sor.u32 $0x7E0, s22;
	v21 =	vsub.f32 v36, v21;
	v36 =	vld [tilespmem:s22+$0x88F0]  }
0x134: {  	s26 =	sor.u32 $0x7C0, s22;
	v34 =	vand.u32 $0x7FFFFFFF, v34;
	v31 =	vadd.f32 v31, v50;
	v50 =	vmul.f32 $2.712673680e-07, v26;
	v26 =	vld [tilespmem:s29+$0x0]  }
0x135: {  	v1 =	vand.u32 $0x7FFFFFFF, v1;
	v34 =	vsub.f32 $1.000000000e+00, v34;
	v20 =	vadd.f32 v20, v47;
	v47 =	vld [tilespmem:s26+$0x0]  }
0x136: {  	s30 =	sor.u32 $0x780, s22;
	v1 =	vmul.f32 v2, v1;
	v60 =	vsub.f32 v61, v62;
	v18 =	vadd.f32 v18, v31;
	v31 =	vld [tilespmem:s22+$0x87D0]  }
0x137: {  	v16 =	vsub.f32 v32, v16;
	v19 =	vmul.f32 $2.712673680e-07, v19;
	v48 =	vadd.f32 v34, v63;
	v34 =	vld [tilespmem:s30+$0x0]  }
0x138: {  	v56 =	vmul.f32 $2.712673680e-07, v5;
	v4 =	vadd.f32 v4, v20;
	v20 =	vld [tilespmem:s22+$0x840];
	v40 =	vand.u32 $0x7FFFFFFF, v60  }
0x139: {  	s30 =	sor.u32 $0x7F0, s22;
	v60 =	vand.u32 $0x7FFFFFFF, v16;
	v16 =	vld [tilespmem:s22+$0x88D0];
	v18 =	vadd.f32 v19, v18;
	v19 =	vmul.f32 v0, v54  }
0x13a: {  	v8 =	vand.u32 $0x7FFFFFFF, v8;
	v10 =	vadd.f32 v50, v10;
	v35 =	vld [tilespmem:s30+$0x0];
	v14 =	vsub.f32 v14, v24  }
0x13b: {  	v4 =	vadd.f32 v17, v4;
	v17 =	vmul.f32 $2.712673680e-07, v55;
	v55 =	vld [tilespmem:s22+$0x8B0];
	v7 =	vadd.f32 v19, v7  }
0x13c: {  	v6 =	vand.u32 $0x7FFFFFFF, v6;
	v19 =	vld [tilespmem:s22+$0x8820];
	v15 =	vadd.f32 v15, v18;
	v22 =	vsub.f32 v47, v29  }
0x13d: {  	v6 =	vmul.f32 v0, v6;
	v18 =	vld [tilespmem:s22+$0x830];
	v10 =	vadd.f32 v17, v10;
	v17 =	vsub.f32 v42, v45  }
0x13e: {  	v41 =	vmul.f32 v2, v40;
	v29 =	vld [tilespmem:s22+$0x8890];
	v1 =	vadd.f32 v1, v4;
	v45 =	vsub.f32 v33, v23  }
0x13f: {  	v40 =	vand.u32 $0x7FFFFFFF, v14;
	v14 =	vld [tilespmem:s22+$0x910];
	v54 =	vsub.f32 v30, v31;
	v3 =	vadd.f32 v3, v7  }
0x140: {  	v7 =	vand.u32 $0x7FFFFFFF, v58;
	v42 =	vsub.f32 v34, v43;
	v34 =	vld [tilespmem:s22+$0x8870];
	v43 =	vsub.f32 v13, v25  }
0x141: {  	v13 =	vld [tilespmem:s22+$0x880];
	v51 =	vand.u32 $0x7FFFFFFF, v22;
	v57 =	vand.u32 $0x7FFFFFFF, v17;
	v4 =	vadd.f32 v56, v10  }
0x142: {  	v25 =	vld [tilespmem:s22+$0x890];
	v7 =	vmul.f32 v2, v7;
	v10 =	vand.u32 $0x7FFFFFFF, v59;
	v56 =	vsub.f32 v26, v28  }
0x143: {  	v17 =	vld [tilespmem:s22+$0x8830];
	v53 =	vmul.f32 v0, v51;
	v58 =	vsub.f32 v35, v27;
	v35 =	vsub.f32 v20, v9  }
0x144: {  	v26 =	vld [tilespmem:s22+$0x88B0];
	v5 =	vmul.f32 $2.712673680e-07, v57;
	v61 =	vmul.f32 $2.712673680e-07, v10;
	v3 =	vadd.f32 v6, v3  }
0x145: {  	v27 =	vld [tilespmem:s22+$0x8C0];
	v44 =	vand.u32 $0x7FFFFFFF, v42;
	v6 =	vand.u32 $0x7FFFFFFF, v43;
	v10 =	vand.u32 $0x7FFFFFFF, v45  }
0x146: {  	v28 =	vld [tilespmem:s22+$0x88C0];
	v57 =	vand.u32 $0x7FFFFFFF, v54;
	v1 =	vadd.f32 v7, v1;
	v7 =	vmul.f32 v0, v44  }
0x147: {  	v51 =	vld [tilespmem:s22+$0x8930];
	v6 =	vmul.f32 $2.712673680e-07, v6;
	v47 =	vmul.f32 $2.712673680e-07, v10;
	v31 =	vsub.f32 v12, v19  }
0x148: {  	v45 =	vld [tilespmem:s22+$0x920];
	v10 =	vand.u32 $0x7FFFFFFF, v58;
	v5 =	vadd.f32 v5, v15;
	v15 =	vsub.f32 v46, v49  }
0x149: {  	v54 =	vld [tilespmem:s22+$0x8940];
	v4 =	vadd.f32 v61, v4;
	v49 =	vand.u32 $0x7FFFFFFF, v21;
	v59 =	vmul.f32 v2, v10  }
0x14a: {  	v12 =	vld [tilespmem:s22+$0x88E0];
	v61 =	vmul.f32 v0, v60;
	v1 =	vadd.f32 v41, v1;
	v3 =	vadd.f32 v7, v3  }
0x14b: {  	v19 =	vld [tilespmem:s22+$0x8900];
	v50 =	vmul.f32 v2, v49;
	v7 =	vmul.f32 $2.712673680e-07, v57;
	v33 =	vand.u32 $0x7FFFFFFF, v31  }
0x14c: {  	v46 =	vld [tilespmem:s22+$0x8880];
	v41 =	vmul.f32 $2.712673680e-07, v40;
	v44 =	vsub.f32 v37, v34;
	v49 =	vsub.f32 v25, v29  }
0x14d: {  	v21 =	vld [tilespmem:s22+$0x8A0];
	v62 =	vand.u32 $0x7FFFFFFF, v15;
	v4 =	vadd.f32 v6, v4;
	v32 =	vsub.f32 v18, v17  }
0x14e: {  	v60 =	vld [tilespmem:s22+$0x960];
	v6 =	vand.u32 $0x7FFFFFFF, v56;
	v24 =	vsub.f32 v55, v26;
	v58 =	vsub.f32 v27, v28  }
0x14f: {  	v25 =	vld [tilespmem:s22+$0x940];
	v63 =	vmul.f32 $2.712673680e-07, v62;
	v1 =	vadd.f32 v50, v1;
	v3 =	vadd.f32 v53, v3  }
0x150: {  	v15 =	vld [tilespmem:s22+$0x8860];
	v6 =	vmul.f32 $2.712673680e-07, v6;
	v4 =	vadd.f32 v7, v4;
	v7 =	vmul.f32 $2.712673680e-07, v33  }
0x151: {  	v17 =	vld [tilespmem:s22+$0x8F0];
	v56 =	vand.u32 $0x7FFFFFFF, v24;
	v5 =	vadd.f32 v63, v5;
	v1 =	vadd.f32 v59, v1  }
0x152: {  	v18 =	vld [tilespmem:s22+$0x900];
	v63 =	vmul.f32 $2.712673680e-07, v8;
	v3 =	vadd.f32 v61, v3;
	v8 =	vand.u32 $0x7FFFFFFF, v35  }
0x153: {  	v62 =	vld [tilespmem:s22+$0x8E0];
	v46 =	vsub.f32 v13, v46;
	v21 =	vsub.f32 v21, v52;
	v57 =	vmul.f32 v2, v56  }
0x154: {  	v50 =	vld [tilespmem:s22+$0x930];
	v59 =	vsub.f32 v11, v16;
	v61 =	vand.u32 $0x7FFFFFFF, v58;
	v39 =	vmul.f32 v0, v8  }
0x155: {  	v26 =	vld [tilespmem:s22+$0x8950];
	v8 =	vand.u32 $0x7FFFFFFF, v49;
	v5 =	vadd.f32 v47, v5;
	v4 =	vadd.f32 v63, v4  }
0x156: {  	v24 =	vld [tilespmem:s22+$0x950];
	v15 =	vsub.f32 v38, v15;
	v47 =	vand.u32 $0x7FFFFFFF, v44;
	v9 =	vsub.f32 v17, v36  }
0x157: {  	v13 =	vld [tilespmem:s22+$0x8920];
	v52 =	vmul.f32 $2.712673680e-07, v8;
	v16 =	vsub.f32 v18, v19;
	v18 =	vsub.f32 v25, v54  }
0x158: {  	v53 =	vand.u32 $0x7FFFFFFF, v21;
	v63 =	vld [tilespmem:s22+$0x8960];
	v3 =	vadd.f32 v39, v3;
	v62 =	vsub.f32 v62, v12  }
0x159: {  	v17 =	vld [tilespmem:s22+$0x8970];
	v55 =	vmul.f32 $2.712673680e-07, v53;
	v39 =	vsub.f32 v50, v51;
	v5 =	vadd.f32 v6, v5  }
0x15a: {  	v19 =	vld [tilespmem:s22+$0x89A0];
	v6 =	vand.u32 $0x7FFFFFFF, v32;
	v42 =	vand.u32 $0x7FFFFFFF, v15;
	v4 =	vadd.f32 v41, v4  }
0x15b: {  	v12 =	vld [tilespmem:s22+$0x970];
	v31 =	vand.u32 $0x7FFFFFFF, v9;
	v34 =	vand.u32 $0x7FFFFFFF, v16;
	v40 =	vsub.f32 v24, v26  }
0x15c: {  	v50 =	vld [tilespmem:s22+$0x89C0];
	v6 =	vmul.f32 v2, v6;
	v43 =	vmul.f32 $2.712673680e-07, v42;
	v8 =	vand.u32 $0x7FFFFFFF, v62  }
0x15d: {  	v15 =	vld [tilespmem:s22+$0x8910];
	v33 =	vmul.f32 v2, v31;
	v35 =	vmul.f32 v0, v34;
	v37 =	vsub.f32 v45, v13  }
0x15e: {  	v32 =	vld [tilespmem:s22+$0x980];
	v5 =	vadd.f32 v7, v5;
	v7 =	vmul.f32 v2, v47;
	v4 =	vadd.f32 v52, v4  }
0x15f: {  	v16 =	vld [tilespmem:s22+$0x8980];
	v30 =	vmul.f32 $2.712673680e-07, v8;
	v8 =	vand.u32 $0x7FFFFFFF, v39;
	v45 =	vand.u32 $0x7FFFFFFF, v40  }
0x160: {  	v41 =	vld [tilespmem:s22+$0x9B0];
	v1 =	vadd.f32 v6, v1;
	v6 =	vand.u32 $0x7FFFFFFF, v46;
	v42 =	vmul.f32 v2, v8  }
0x161: {  	v13 =	vld [tilespmem:s22+$0x8990];
	v47 =	vmul.f32 $2.712673680e-07, v45;
	v49 =	vsub.f32 v60, v63;
	v5 =	vadd.f32 v43, v5  }
0x162: {  	v46 =	vld [tilespmem:s22+$0x9C0];
	v6 =	vmul.f32 v0, v6;
	v43 =	vand.u32 $0x7FFFFFFF, v18;
	v51 =	vsub.f32 v12, v17  }
0x163: {  	v18 =	vld [tilespmem:s22+$0x89B0];
	v1 =	vadd.f32 v7, v1;
	v7 =	vmul.f32 v0, v61;
	v36 =	vsub.f32 v14, v15  }
0x164: {  	v14 =	vld [tilespmem:s22+$0x990];
	v44 =	vmul.f32 v0, v43;
	v53 =	vand.u32 $0x7FFFFFFF, v49;
	v54 =	vsub.f32 v32, v16  }
0x165: {  	v15 =	vld [tilespmem:s22+$0x9A0];
	v3 =	vadd.f32 v6, v3;
	v5 =	vadd.f32 v55, v5;
	v6 =	vand.u32 $0x7FFFFFFF, v59  }
0x166: {  	v1 =	vadd.f32 v57, v1;
	v6 =	vmul.f32 $2.712673680e-07, v6;
	v38 =	vand.u32 $0x7FFFFFFF, v36  }
0x167: {  	v8 =	vand.u32 $0x7FFFFFFF, v54;
	v3 =	vadd.f32 v7, v3;
	v5 =	vadd.f32 v30, v5  }
0x168: {  	v52 =	vld [tilespmem:s22+$0x9D0];
	v7 =	vmul.f32 $2.712673680e-07, v38;
	v58 =	vsub.f32 v46, v50;
	v4 =	vadd.f32 v6, v4  }
0x169: {  	v16 =	vld [tilespmem:s22+$0x9F0];
	v8 =	vmul.f32 v0, v8;
	v1 =	vadd.f32 v33, v1;
	v57 =	vsub.f32 v41, v18  }
0x16a: {  	v55 =	vld [tilespmem:s22+$0x89D0];
	v6 =	vand.u32 $0x7FFFFFFF, v37;
	v12 =	vsub.f32 v14, v13;
	v13 =	vsub.f32 v15, v19  }
0x16b: {  	v3 =	vadd.f32 v35, v3;
	v6 =	vmul.f32 $2.712673680e-07, v6;
	v14 =	vld [tilespmem:s22+$0x9E0];
	v4 =	vadd.f32 v7, v4  }
0x16c: {  	v15 =	vld [tilespmem:s22+$0x89E0];
	v7 =	vmul.f32 $2.712673680e-07, v53;
	v12 =	vand.u32 $0x7FFFFFFF, v12;
	v13 =	vand.u32 $0x7FFFFFFF, v13  }
0x16d: {  	v1 =	vadd.f32 v42, v1;
	v56 =	vmul.f32 $2.712673680e-07, v12;
	v12 =	vmul.f32 $2.712673680e-07, v13;
	v13 =	vld [tilespmem:s22+$0x89F0]  }
0x16e: {  	v5 =	vadd.f32 v6, v5;
	v3 =	vadd.f32 v44, v3;
	v6 =	vand.u32 $0x7FFFFFFF, v51  }
0x16f: {  	v59 =	vsub.f32 v52, v55;
	v4 =	vadd.f32 v47, v4;
	v6 =	vmul.f32 v2, v6  }
0x170: {  	v5 =	vadd.f32 v7, v5;
	v3 =	vadd.f32 v8, v3;
	v7 =	vand.u32 $0x7FFFFFFF, v58  }
0x171: {  	v8 =	vand.u32 $0x7FFFFFFF, v59;
	v1 =	vadd.f32 v6, v1;
	v60 =	vsub.f32 v14, v15  }
0x172: {  	p0 =	slt.u32 s21, $0x1E;
	v6 =	vand.u32 $0x7FFFFFFF, v57;
	v7 =	vmul.f32 v0, v7;
	v61 =	vsub.f32 v16, v13  }
.Ltmp0:
0x173: {  	v4 =	vadd.f32 v56, v4;
	v8 =	vmul.f32 $2.712673680e-07, v8;
	v6 =	vmul.f32 v2, v6;
	(pc) =	sbr.rel @p0 .LBB2_2-.Ltmp0, $4  }
0x174: {  	v5 =	vadd.f32 v12, v5;
	v9 =	vand.u32 $0x7FFFFFFF, v60;
	v10 =	vand.u32 $0x7FFFFFFF, v61  }
0x175: {  	v1 =	vadd.f32 v6, v1;
	v62 =	vmul.f32 $2.712673680e-07, v9;
	v63 =	vmul.f32 v2, v10  }
0x176: {  	s31 =	sadd.s32 $0x2, s21;
	v26 =	vadd.f32 v7, v3;
	v27 =	vadd.f32 v8, v4  }
0x177: {  	s21 =	smov.u32 s31;
	v15 =	vld [tilespmem:$0x1FFF0];
	v17 =	vadd.f32 v62, v5;
	v53 =	vadd.f32 v63, v1  }
0x178: {  	_ = 	snop  }
0x179: {  	v1 =	vadd.f32 v27, v26;
	v3 =	vadd.f32 v53, v17;
	_ =	sdelay $0x1  }
0x17a: {  	v1 =	vadd.f32 v3, v1;
	v3 =	vmul.f32 $3.051757810e-05, v48;
	_ =	sdelay $0x1  }
0x17b: {  	s20 =	sadd.s32 $0x1, s20;
	v1 =	vadd.f32 v3, v1  }
0x17c: {  	p0 =	sne.s32 s20, s7  }
.Ltmp1:
0x17d: {  	[tilespmem:$0x10200] =	vst v1;
	(pc) =	sbr.rel @p0 .LBB2_1-.Ltmp1, $4  }
0x17e: {  	[hbm4b:s6+s2] =	stream.linear.scatter [tilespmem:s18], [sflag:$0x3], $0x10, $0x38;
	[tilespmem:$0x10210] =	vst v63  }
0x17f: {  	_ =	swait.ge [sflag:s19], $0x10  }
0x180: {  	[sflag:s19] =	ssyncset.done $0x0  }
0x181: {  	[sflag:s19] =	ssyncadd.s32 $0xFFFFFFF0  }
0x182: {  	_ =	sfence.sel $0x180000  }
0x183: {  	[bflag:$0x0] =	sbarrier.arrive $0xFFFF  }
0x184: {  	p0 =	sne.s32 s0, $0x0;
	_ =	strace $0x90000047  }
0x185: {  	s0 =	sadd.s32 @!p0 $0x100000, s1;
	[bflag:$0x2] =	sbarrier.arrive $0xFFFF  }
0x186: {  	[sflag:s0] =	ssyncadd.tile.s32 @!p0 $0x1;
	_ =	shalt  }
.Lfunc_end2:
_tile_overlayer_lowered:
.L_overlay_start_2:
0x187: {  	(tag) =	ssettag $0x2  }
0x188: {  	s0 =	rddreg [dreg:$0x0];
	s2 =	stileid.u32  }
0x189: {  	s1 =	rddreg [dreg:$0x1];
	p0 =	sne.s32 s2, $0x0  }
0x18a: {  	s3 =	rddreg [dreg:$0x2];
	[bflag:$0x3] =	sbarrier.arrive $0xFFFF;
	s2 =	simm.s32 @!p0 $0x1C03  }
0x18b: {  	[timem:s3], [sflag:s2] =	dma.local @!p0 [hbm:s0], s1  }
0x18c: {  	s0 =	simm.s32 @!p0 $0x3  }
0x18d: {  	_ =	swait.ge @!p0 [sflag:s0], s1  }
0x18e: {  	s1 =	ssub.s32 @!p0 $0x0, s1;
	[sflag:s0] =	ssyncset.done @!p0 $0x0  }
0x18f: {  	[sflag:s0] =	ssyncadd.s32 @!p0 s1  }
0x190: {  	[bflag:$0x3] =	sbarrier.arrive $0xFFFF  }
0x191: {  	_ =	shalt  }

</sc_bundles>
